<compile_context>
chip_gen: v7x
topology: tpu7x:2x2x1
jax: 0.10.2.dev20260603
libtpu: 0.0.44.dev20260713+nightly
codegen_flags: <defaults>
</compile_context>

<pallas_src>
import functools

import jax
import jax.numpy as jnp
from jax import lax
from jax.experimental import pallas as pl
from jax.experimental.pallas import tpu as pltpu
from jax.experimental.pallas import tpu_sc as plsc

B = 4096
KP = 5000
NP = 5120
D = 512
C = 50
EPS = 0.05
TEMP = 0.1
MB = 512
NB = 512
NM = B // MB
NN = NP // NB

_f32 = jnp.float32


def _dot(a, b, dims):
    return jax.lax.dot_general(a, b, (dims, ((), ())),
                               preferred_element_type=_f32)



def _mm_exp_kernel(f_ref, p_ref, e_ref, cs_ref):
    n, m = pl.program_id(0), pl.program_id(1)
    out = _dot(f_ref[...], p_ref[...], ((1,), (1,)))
    col = n * NB + jax.lax.broadcasted_iota(jnp.int32, (MB, NB), 1)
    e = jnp.where(col < KP, jnp.exp(out * (1.0 / EPS)), 0.0)
    e_ref[...] = e.astype(jnp.bfloat16)
    cs_ref[pl.ds(m, 1), :] = jnp.sum(e, axis=0, keepdims=True)


def _mm_exp(f, p):
    outs = [
        jax.ShapeDtypeStruct((B, NP), jnp.bfloat16),
        jax.ShapeDtypeStruct((NM, NP), _f32),
    ]
    specs = [
        pl.BlockSpec((MB, NB), lambda n, m: (m, n)),
        pl.BlockSpec((NM, NB), lambda n, m: (0, n)),
    ]
    return pl.pallas_call(
        _mm_exp_kernel,
        grid=(NN, NM),
        in_specs=[
            pl.BlockSpec((MB, D), lambda n, m: (m, 0)),
            pl.BlockSpec((NB, D), lambda n, m: (n, 0)),
        ],
        out_specs=specs,
        out_shape=outs,
    )(f, p)



def _colsum_kernel(e_ref, v_ref, cs_ref):
    m = pl.program_id(1)
    e = e_ref[...].astype(_f32)
    val = _dot(v_ref[...], e, ((0,), (0,)))
    cs_ref[pl.ds(m, 1), :] = val


def _colsum_weighted(e, v):
    csp = pl.pallas_call(
        _colsum_kernel,
        grid=(NN, NM),
        in_specs=[
            pl.BlockSpec((MB, NB), lambda n, m: (m, n)),
            pl.BlockSpec((MB, 1), lambda n, m: (m, 0)),
        ],
        out_specs=pl.BlockSpec((NM, NB), lambda n, m: (0, n)),
        out_shape=jax.ShapeDtypeStruct((NM, NP), _f32),
    )(e, v)
    return jnp.sum(csp, axis=0, keepdims=True)



def _rowsum_kernel(e_ref, u_ref, rs_ref):
    n = pl.program_id(1)

    @pl.when(n == 0)
    def _():
        rs_ref[...] = jnp.zeros_like(rs_ref)
    rs_ref[...] += _dot(e_ref[...].astype(_f32), u_ref[...],
                        ((1,), (1,)))


def _rowsum_weighted(e, u):
    return pl.pallas_call(
        _rowsum_kernel,
        grid=(NM, NN),
        in_specs=[
            pl.BlockSpec((MB, NB), lambda m, n: (m, n)),
            pl.BlockSpec((1, NB), lambda m, n: (0, n)),
        ],
        out_specs=pl.BlockSpec((MB, 1), lambda m, n: (m, 0)),
        out_shape=jax.ShapeDtypeStruct((B, 1), _f32),
    )(e, u)


def _sinkhorn_u(e, cs0):
    def u_of(cs):
        return 1.0 / (KP * jnp.maximum(cs, 1e-30))
    u = u_of(cs0)
    for _ in range(2):
        v = 1.0 / (B * jnp.maximum(_rowsum_weighted(e, u), 1e-30))
        u = u_of(_colsum_weighted(e, v))
    kmask = (jnp.arange(NP)[None, :] < KP)
    return jnp.where(kmask, u, 0.0)



MSEL = 128
NSEL = B // MSEL
NCAND = KP // C
KC = 128


def _compact_kernel(e_ref, u_ref, t_ref, g_ref, wc_ref):
    e = e_ref[...].astype(_f32)
    tgt = t_ref[...]
    col = jax.lax.broadcasted_iota(jnp.int32, (MB, NP), 1)
    w = jnp.where(jnp.remainder(col, C) == tgt, e * u_ref[...], 0.0)
    wc_ref[...] = _dot(w, g_ref[...], ((1,), (0,)))


def _compact(e, u, targets2d, g):
    return pl.pallas_call(
        _compact_kernel,
        grid=(NM,),
        in_specs=[
            pl.BlockSpec((MB, NP), lambda m: (m, 0)),
            pl.BlockSpec((1, NP), lambda m: (0, 0)),
            pl.BlockSpec((MB, 1), lambda m: (m, 0)),
            pl.BlockSpec((NP, KC), lambda m: (0, 0)),
        ],
        out_specs=pl.BlockSpec((MB, KC), lambda m: (m, 0)),
        out_shape=jax.ShapeDtypeStruct((B, KC), _f32),
    )(e, u, targets2d, g)


_SC_INFO = plsc.get_sparse_core_info()
SCW = _SC_INFO.num_cores * _SC_INFO.num_subcores
RPW = B // SCW


NG = RPW // 16


def _sc_top5(wct_flat):
    mesh = plsc.VectorSubcoreMesh(core_axis_name="c", subcore_axis_name="s")
    nc = _SC_INFO.num_cores

    @functools.partial(
        pl.kernel, mesh=mesh,
        out_type=jax.ShapeDtypeStruct((5 * B,), jnp.int32),
        scratch_types=[
            pltpu.VMEM((RPW * KC,), _f32),
            pltpu.VMEM((5 * RPW,), jnp.int32),
        ],
    )
    def k(wc_hbm, ks_hbm, wv, oi):
        wid = lax.axis_index("s") * nc + lax.axis_index("c")
        base = wid * RPW
        pltpu.sync_copy(wc_hbm.at[pl.ds(base * KC, RPW * KC)], wv)

        def group(g, carry):
            def step(kk, st):
                tv, ti = st
                cv = wv[pl.ds(g * (16 * KC) + kk * 16, 16)]
                ci = kk
                ntv, nti = [], []
                for lvl in range(5):
                    gt = cv > tv[lvl]
                    ntv.append(jnp.where(gt, cv, tv[lvl]))
                    nti.append(jnp.where(gt, ci, ti[lvl]))
                    cv = jnp.where(gt, tv[lvl], cv)
                    ci = jnp.where(gt, ti[lvl], ci)
                return tuple(ntv), tuple(nti)

            init = (tuple(jnp.full((16,), -1.0, _f32) for _ in range(5)),
                    tuple(jnp.zeros((16,), jnp.int32) for _ in range(5)))
            tv, ti = lax.fori_loop(0, KC, step, init)
            for lvl in range(5):
                oi[pl.ds(lvl * RPW + g * 16, 16)] = ti[lvl]
            return carry

        lax.fori_loop(0, NG, group, 0)
        for lvl in range(5):
            pltpu.sync_copy(oi.at[pl.ds(lvl * RPW, RPW)],
                            ks_hbm.at[pl.ds(lvl * B + base, RPW)])

    return k(wct_flat)


def _stats_kernel(wc_ref, k_ref, t_ref, s_ref, cs_ref, sel_ref):
    m = pl.program_id(0)
    wc = wc_ref[...]
    ks = k_ref[...]
    tgt = t_ref[...]
    kcol = jax.lax.broadcasted_iota(jnp.int32, (MSEL, KC), 1)
    w5 = []
    s = jnp.zeros((MSEL, 1), _f32)
    for mm in range(5):
        km = ks[:, mm:mm + 1]
        wm = jnp.sum(jnp.where(kcol == km, wc, 0.0), axis=1, keepdims=True)
        w5.append(wm)
        s = s + wm
    s_ref[...] = s
    sinv = 1.0 / jnp.maximum(s, 1e-12)
    col = jax.lax.broadcasted_iota(jnp.int32, (MSEL, NP), 1)
    wn = jnp.zeros((MSEL, NP), _f32)
    sel = jnp.zeros((MSEL, NP), _f32)
    for mm in range(5):
        hit = (col == (tgt + C * ks[:, mm:mm + 1])).astype(_f32)
        sel = sel + hit
        wn = wn + hit * (w5[mm] * sinv)
    sel_ref[...] = sel.astype(jnp.bfloat16)
    cs_ref[pl.ds(m, 1), :] = jnp.sum(wn, axis=0, keepdims=True)


def _select_stats(wc, ks, targets2d):
    return pl.pallas_call(
        _stats_kernel,
        grid=(NSEL,),
        in_specs=[
            pl.BlockSpec((MSEL, KC), lambda m: (m, 0)),
            pl.BlockSpec((MSEL, 16), lambda m: (m, 0)),
            pl.BlockSpec((MSEL, 1), lambda m: (m, 0)),
        ],
        out_specs=[
            pl.BlockSpec((MSEL, 1), lambda m: (m, 0)),
            pl.BlockSpec((NSEL, NP), lambda m: (0, 0)),
            pl.BlockSpec((MSEL, NP), lambda m: (m, 0)),
        ],
        out_shape=[
            jax.ShapeDtypeStruct((B, 1), _f32),
            jax.ShapeDtypeStruct((NSEL, NP), _f32),
            jax.ShapeDtypeStruct((B, NP), jnp.bfloat16),
        ],
    )(wc, ks, targets2d)



def _update_kernel(sel_ref, e_ref, u_ref, fs_ref, p_ref, cs_ref, pn_ref):
    m = pl.program_id(1)
    pw = (sel_ref[...].astype(_f32) * e_ref[...].astype(_f32)
          * u_ref[...])
    contrib = _dot(pw, fs_ref[...], ((0,), (0,)))

    @pl.when(m == 0)
    def _():
        pn_ref[...] = jnp.zeros_like(pn_ref)
    pn_ref[...] += contrib

    @pl.when(m == NM - 1)
    def _():
        uf = pn_ref[...] / jnp.maximum(cs_ref[...], 1e-12)
        pn = 0.99 * p_ref[...] + 0.01 * uf
        nrm = jnp.sqrt(jnp.sum(pn * pn, axis=1, keepdims=True))
        pn_ref[...] = pn / jnp.maximum(nrm, 1e-12)


def _update_protos(sel, e, u, f_scaled, protos_pad, cs_col):
    return pl.pallas_call(
        _update_kernel,
        grid=(NN, NM),
        in_specs=[
            pl.BlockSpec((MB, NB), lambda n, m: (m, n)),
            pl.BlockSpec((MB, NB), lambda n, m: (m, n)),
            pl.BlockSpec((1, NB), lambda n, m: (0, n)),
            pl.BlockSpec((MB, D), lambda n, m: (m, 0)),
            pl.BlockSpec((NB, D), lambda n, m: (n, 0)),
            pl.BlockSpec((NB, 1), lambda n, m: (n, 0)),
        ],
        out_specs=pl.BlockSpec((NB, D), lambda n, m: (n, 0)),
        out_shape=jax.ShapeDtypeStruct((NP, D), _f32),
    )(sel, e, u, f_scaled, protos_pad, cs_col)



def _pos_kernel(sel_ref, e_ref, u_ref, num_ref, den_ref, lse_ref):
    n = pl.program_id(1)
    sel = sel_ref[...].astype(_f32)
    e = e_ref[...].astype(_f32)
    q = sel * e * u_ref[...]
    logit = jnp.where(sel > 0.0,
                      (EPS / TEMP) * jnp.log(jnp.maximum(e, 1e-38)), 0.0)
    term = q * logit

    @pl.when(n == 0)
    def _():
        num_ref[...] = jnp.zeros_like(num_ref)
        den_ref[...] = jnp.zeros_like(den_ref)
        lse_ref[...] = jnp.zeros_like(lse_ref)
    num_ref[...] += jnp.sum(term, axis=1, keepdims=True)
    den_ref[...] += jnp.sum(q, axis=1, keepdims=True)
    lse_ref[...] += jnp.sum(jnp.sqrt(e), axis=1, keepdims=True)


def _pos_sums(sel, e2, u2):
    return pl.pallas_call(
        _pos_kernel,
        grid=(NM, NN),
        in_specs=[
            pl.BlockSpec((MB, NB), lambda m, n: (m, n)),
            pl.BlockSpec((MB, NB), lambda m, n: (m, n)),
            pl.BlockSpec((1, NB), lambda m, n: (0, n)),
        ],
        out_specs=[
            pl.BlockSpec((MB, 1), lambda m, n: (m, 0)),
            pl.BlockSpec((MB, 1), lambda m, n: (m, 0)),
            pl.BlockSpec((MB, 1), lambda m, n: (m, 0)),
        ],
        out_shape=[
            jax.ShapeDtypeStruct((B, 1), _f32),
            jax.ShapeDtypeStruct((B, 1), _f32),
            jax.ShapeDtypeStruct((B, 1), _f32),
        ],
    )(sel, e2, u2)



def _pcon_kernel(pi_ref, pj_ref, ci_ref, cj_ref, pos_ref, neg_ref):
    i, j = pl.program_id(0), pl.program_id(1)
    g = _dot(pi_ref[...], pj_ref[...], ((1,), (1,)))
    x = 2.0 * g
    gi = i * NB + jax.lax.broadcasted_iota(jnp.int32, (NB, NB), 0)
    gj = j * NB + jax.lax.broadcasted_iota(jnp.int32, (NB, NB), 1)
    offd = (gi != gj) & (gj < KP)
    samec = offd & (ci_ref[...] == cj_ref[...])

    @pl.when(j == 0)
    def _():
        pos_ref[...] = jnp.zeros_like(pos_ref)
        neg_ref[...] = jnp.zeros_like(neg_ref)
    pos_ref[...] += jnp.sum(jnp.where(samec, x, 0.0), axis=1, keepdims=True)
    neg_ref[...] += jnp.sum(jnp.where(offd, jnp.exp(x - 2.0), 0.0),
                            axis=1, keepdims=True)


def _pcon_sums(pn, cls_col, cls_row):
    return pl.pallas_call(
        _pcon_kernel,
        grid=(NN, NN),
        in_specs=[
            pl.BlockSpec((NB, D), lambda i, j: (i, 0)),
            pl.BlockSpec((NB, D), lambda i, j: (j, 0)),
            pl.BlockSpec((NB, 1), lambda i, j: (i, 0)),
            pl.BlockSpec((1, NB), lambda i, j: (0, j)),
        ],
        out_specs=[
            pl.BlockSpec((NB, 1), lambda i, j: (i, 0)),
            pl.BlockSpec((NB, 1), lambda i, j: (i, 0)),
        ],
        out_shape=[
            jax.ShapeDtypeStruct((NP, 1), _f32),
            jax.ShapeDtypeStruct((NP, 1), _f32),
        ],
    )(pn, pn, cls_col, cls_row)



def _ulmax_kernel(x_ref, p_ref, mx_ref):
    n = pl.program_id(1)
    sims = _dot(x_ref[...], p_ref[...], ((1,), (1,)))
    col = n * NB + jax.lax.broadcasted_iota(jnp.int32, (MB, NB), 1)
    sims = jnp.where(col < KP, sims, -3e38)
    blockmax = jnp.max(sims, axis=1, keepdims=True)

    @pl.when(n == 0)
    def _():
        mx_ref[...] = jnp.full_like(mx_ref, -3e38)
    mx_ref[...] = jnp.maximum(mx_ref[...], blockmax)


def _ul_max(x, pn):
    return pl.pallas_call(
        _ulmax_kernel,
        grid=(NM, NN),
        in_specs=[
            pl.BlockSpec((MB, D), lambda m, n: (m, 0)),
            pl.BlockSpec((NB, D), lambda m, n: (n, 0)),
        ],
        out_specs=pl.BlockSpec((MB, 1), lambda m, n: (m, 0)),
        out_shape=jax.ShapeDtypeStruct((B, 1), _f32),
    )(x, pn)



def kernel(features, targets, unlabeled_features, protos):
    f = features.astype(_f32)
    protos_pad = jnp.pad(protos.astype(_f32), ((0, NP - KP), (0, 0)))
    targets2d = targets.astype(jnp.int32).reshape(B, 1)

    e1, csp1 = _mm_exp(f, protos_pad)
    u1 = _sinkhorn_u(e1, jnp.sum(csp1, axis=0, keepdims=True))

    grp = (jnp.arange(NP)[:, None] // C ==
           jnp.arange(KC)[None, :]).astype(_f32)
    grp = grp * (jnp.arange(NP)[:, None] < KP)
    wc = _compact(e1, u1, targets2d, grp)
    wct = wc.reshape(B // 16, 16, KC).swapaxes(1, 2).reshape(-1)
    ks5 = _sc_top5(wct).reshape(5, B)
    ks = jnp.pad(ks5.T, ((0, 0), (0, 11)))
    s, csp_w, sel = _select_stats(wc, ks, targets2d)
    cs_col = jnp.sum(csp_w, axis=0).reshape(NP, 1)
    f_scaled = f / jnp.maximum(s, 1e-12)
    pn = _update_protos(sel, e1, u1, f_scaled, protos_pad, cs_col)

    e2, csp2 = _mm_exp(f, pn)
    u2 = _sinkhorn_u(e2, jnp.sum(csp2, axis=0, keepdims=True))
    num, den, lse_rs = _pos_sums(sel, e2, u2)
    neg = jnp.log(lse_rs[:, 0])
    pos = num[:, 0] / jnp.maximum(den[:, 0], 1e-30)
    mle = jnp.mean(neg) - jnp.mean(pos)

    cls = jnp.remainder(jnp.arange(NP, dtype=jnp.int32), C).astype(_f32)
    posa, nega = _pcon_sums(pn, cls.reshape(NP, 1), cls.reshape(1, NP))
    pcon_rows = posa[:KP, 0] / 99.0 - (jnp.log(nega[:KP, 0]) + 2.0)
    pcon = -jnp.mean(pcon_rows)

    mx = _ul_max(unlabeled_features.astype(_f32), pn)
    ul = 0.5 * jnp.mean(1.0 - mx[:, 0])

    return mle + pcon + ul

# --- scband reference (transcript-rebuilt; emitter-appended) ---
"""Pipeline reference for scband-palm-6545530159650 (READ-ONLY COPY).

The authoritative reference and input builder live on the scoring server;
editing this copy changes nothing except your own understanding.
"""

import jax, jax.numpy as jnp
import numpy as np

NUM_CLASSES = 50
CACHE_SIZE = 100
N_PROTOS = 5000
FEAT_DIM = 512
BATCH = 4096
NVIEWS = 1
TEMP = 0.1
EPSILON = 0.05
PROTO_M = 0.99
K_TOP = 5
LAMBDA_PCON = 1.0
UNLABELED_W = 0.5
SINKHORN_ITERS = 3

def _l2norm(x, axis):
    return x / jnp.maximum(jnp.linalg.norm(x, axis=axis, keepdims=True), 1e-12)

def _l1norm(x, axis):
    return x / jnp.maximum(jnp.sum(jnp.abs(x), axis=axis, keepdims=True), 1e-12)

def _sinkhorn(features, protos):
    out = features @ jax.lax.stop_gradient(protos).T
    Q = jnp.exp(jax.lax.stop_gradient(out) / EPSILON).T
    B = Q.shape[1]
    K = Q.shape[0]
    Q = Q / jnp.sum(Q)
    for _ in range(SINKHORN_ITERS):
        Q = _l1norm(Q, axis=1)
        Q = Q / K
        Q = _l1norm(Q, axis=0)
        Q = Q / B
    Q = Q * B
    return Q.T

def _scatter_topk_mask(ref, idx):
    rows = jnp.arange(ref.shape[0])[:, None]
    return jnp.zeros_like(ref).at[rows, idx].set(1.0)

def _mle_loss(features, targets, protos):
    anchor_labels = jnp.tile(targets, NVIEWS)[:, None]
    contrast_labels = jnp.tile(jnp.arange(NUM_CLASSES), CACHE_SIZE)[:, None]
    mask = (anchor_labels == contrast_labels.T).astype(jnp.float32)
    Q = _sinkhorn(features, protos)
    update_mask = mask * Q
    _, topk_idx = jax.lax.top_k(update_mask, K_TOP)
    topk_mask = _scatter_topk_mask(update_mask, topk_idx)
    update_mask = _l1norm(_l1norm(topk_mask * update_mask, axis=1), axis=0)
    update_features = update_mask.T @ features
    protos_new = PROTO_M * protos + (1.0 - PROTO_M) * update_features
    protos_new = _l2norm(protos_new, axis=1)
    Q2 = _sinkhorn(features, protos_new)
    proto_dis = features @ jax.lax.stop_gradient(protos_new).T
    logits = proto_dis / TEMP
    loss_mask = mask * Q2
    # faithful to torch source: second topk is taken over update_mask (not loss_mask)
    _, topk_idx2 = jax.lax.top_k(update_mask, K_TOP)
    topk_mask2 = _scatter_topk_mask(update_mask, topk_idx2)
    loss_mask = _l1norm(topk_mask2 * loss_mask, axis=1)
    masked_logits = loss_mask * logits
    pos = jnp.sum(masked_logits, axis=1)
    neg = jnp.log(jnp.sum(jnp.exp(logits), axis=1, keepdims=True))
    # faithful to torch: pos [B] - neg [B,1] broadcasts to [B,B]
    log_prob = pos - neg
    loss = -jnp.mean(log_prob)
    return loss, protos_new

def _proto_contra(protos):
    protos_n = _l2norm(protos, axis=1)
    proto_labels = jnp.tile(jnp.arange(NUM_CLASSES), CACHE_SIZE)[:, None]
    mask = (proto_labels == proto_labels.T).astype(jnp.float32)
    anchor_dot_contrast = (protos_n @ protos_n.T) / 0.5
    logits_max = jax.lax.stop_gradient(jnp.max(anchor_dot_contrast, axis=1, keepdims=True))
    logits = anchor_dot_contrast - logits_max
    diag = jnp.arange(N_PROTOS)
    logits_mask = jnp.ones((N_PROTOS, N_PROTOS), dtype=jnp.float32).at[diag, diag].set(0.0)
    mask = mask * logits_mask
    pos = jnp.sum(_l1norm(mask, axis=1) * logits, axis=1)
    neg = jnp.log(jnp.sum(logits_mask * jnp.exp(logits), axis=1))
    log_prob = pos - neg
    return -jnp.mean(log_prob)

def _unlabeled_loss(u, protos):
    sims = u @ protos.T
    idx = jnp.argmax(sims, axis=1)
    closest = jnp.take_along_axis(sims, idx[:, None], axis=1)[:, 0]
    return jnp.mean(1.0 - closest)

def _forward(features, targets, unlabeled_features, protos):
    mle, protos_new = _mle_loss(features, targets, protos)
    pcon = LAMBDA_PCON * _proto_contra(protos_new)
    ul = UNLABELED_W * _unlabeled_loss(unlabeled_features, protos_new)
    return mle + pcon + ul

def setup_inputs(seed: int = 0):
    key = jax.random.key(seed)
    k1, k2, k3, k4 = jax.random.split(key, 4)
    # features are L2-normalized (as produced by the upstream projection head);
    # this also keeps exp(out/epsilon) finite, matching intended usage
    features = _l2norm(jax.random.normal(k1, (BATCH, FEAT_DIM), dtype=jnp.float32), axis=1)
    targets = jax.random.randint(k2, (BATCH,), 0, NUM_CLASSES)
    unlabeled_features = _l2norm(jax.random.normal(k3, (BATCH, FEAT_DIM), dtype=jnp.float32), axis=1)
    protos = _l2norm(jax.random.uniform(k4, (N_PROTOS, FEAT_DIM), dtype=jnp.float32), axis=1)
    return {"features": features, "targets": targets, "unlabeled_features": unlabeled_features, "protos": protos}

def reference(features, targets, unlabeled_features, protos):
    return _forward(features, targets, unlabeled_features, protos)

if __name__ == "__main__":
    import jax
    _d = setup_inputs()
    print(jax.jit(kernel)(*tuple(_d.values())))

</pallas_src>

<mosaic_0001>
#map = affine_map<(d0, d1) -> (0)>
module attributes {stable_mosaic.version = 14 : i64} {
  func.func @k(%arg0: i32, %arg1: i32, %arg2: memref<524288xf32, #tpu.memory_space<hbm>>, %arg3: memref<20480xi32, #tpu.memory_space<hbm>>, %arg4: memref<16384xf32, #tpu.memory_space<vmem>>, %arg5: memref<640xi32, #tpu.memory_space<vmem>>) attributes {dimension_semantics = [#tpu.dimension_semantics<core_parallel>, #tpu.dimension_semantics<subcore_parallel>], iteration_bounds = array<i64: 2, 16>, scalar_prefetch = 0 : i64, scratch_operands = 2 : i64, tpu.core_type = #tpu.core_type<sc_vector_subcore>, window_params = [{transform_indices = #map}, {transform_indices = #map}]} {
    %mul3A = arith.constant 2 : i32
    %mul3A_0 = arith.muli %arg1, %mul3A : i32
    %add3A = arith.addi %mul3A_0, %arg0 : i32
    %mul3A_1 = arith.constant 128 : i32
    %mul3A_2 = arith.muli %add3A, %mul3A_1 : i32
    %mul3A_3 = arith.constant 128 : i32
    %mul3A_4 = arith.muli %mul3A_2, %mul3A_3 : i32
    "tpu.region"() ({
      %run_scoped3A = tpu.sem_alloc : memref<!tpu.dma_semaphore, #tpu.memory_space<semaphore_mem>>
      %dma_start3A = tpu.memref_slice %arg2[%mul3A_4] : memref<524288xf32, #tpu.memory_space<hbm>> -> memref<16384xf32, #tpu.memory_space<hbm>>
      %dma_start3A_20 = tpu.memref_slice %arg2[%mul3A_4] : memref<524288xf32, #tpu.memory_space<hbm>> -> memref<16384xf32, #tpu.memory_space<hbm>>
      tpu.enqueue_dma source(%dma_start3A_20 : memref<16384xf32, #tpu.memory_space<hbm>>) target(%arg4 : memref<16384xf32, #tpu.memory_space<vmem>>) target_semaphore(%run_scoped3A : memref<!tpu.dma_semaphore, #tpu.memory_space<semaphore_mem>>)
      %dma_wait3A = tpu.memref_slice %arg2[%mul3A_4] : memref<524288xf32, #tpu.memory_space<hbm>> -> memref<16384xf32, #tpu.memory_space<hbm>>
      %dma_wait3A_21 = tpu.memref_slice %arg2[%mul3A_4] : memref<524288xf32, #tpu.memory_space<hbm>> -> memref<16384xf32, #tpu.memory_space<hbm>>
      tpu.wait_dma2 semaphore(%run_scoped3A : memref<!tpu.dma_semaphore, #tpu.memory_space<semaphore_mem>>) src(%dma_wait3A_21 : memref<16384xf32, #tpu.memory_space<hbm>>) dst(%arg4 : memref<16384xf32, #tpu.memory_space<vmem>>)
      tpu.yield
    }) : () -> ()
    %scan3A = arith.constant 0 : i32
    %scan3A_5 = arith.constant 0 : i32
    %scan3A_6 = arith.constant 8 : i32
    %scan3A_7 = arith.addi %scan3A_5, %scan3A_6 : i32
    %scan3A_8 = arith.constant 1 : i32
    scf.for %scan3A_20 = %scan3A_5 to %scan3A_7 step %scan3A_8  : i32 {
      %broadcast_in_dim3A = arith.constant -1.000000e+00 : f32
      %broadcast_in_dim3A_21 = vector.broadcast %broadcast_in_dim3A : f32 to vector<16xf32>
      %broadcast_in_dim3A_22 = arith.constant -1.000000e+00 : f32
      %broadcast_in_dim3A_23 = vector.broadcast %broadcast_in_dim3A_22 : f32 to vector<16xf32>
      %broadcast_in_dim3A_24 = arith.constant -1.000000e+00 : f32
      %broadcast_in_dim3A_25 = vector.broadcast %broadcast_in_dim3A_24 : f32 to vector<16xf32>
      %broadcast_in_dim3A_26 = arith.constant -1.000000e+00 : f32
      %broadcast_in_dim3A_27 = vector.broadcast %broadcast_in_dim3A_26 : f32 to vector<16xf32>
      %broadcast_in_dim3A_28 = arith.constant -1.000000e+00 : f32
      %broadcast_in_dim3A_29 = vector.broadcast %broadcast_in_dim3A_28 : f32 to vector<16xf32>
      %broadcast_in_dim3A_30 = arith.constant 0 : i32
      %broadcast_in_dim3A_31 = vector.broadcast %broadcast_in_dim3A_30 : i32 to vector<16xi32>
      %broadcast_in_dim3A_32 = arith.constant 0 : i32
      %broadcast_in_dim3A_33 = vector.broadcast %broadcast_in_dim3A_32 : i32 to vector<16xi32>
      %broadcast_in_dim3A_34 = arith.constant 0 : i32
      %broadcast_in_dim3A_35 = vector.broadcast %broadcast_in_dim3A_34 : i32 to vector<16xi32>
      %broadcast_in_dim3A_36 = arith.constant 0 : i32
      %broadcast_in_dim3A_37 = vector.broadcast %broadcast_in_dim3A_36 : i32 to vector<16xi32>
      %broadcast_in_dim3A_38 = arith.constant 0 : i32
      %broadcast_in_dim3A_39 = vector.broadcast %broadcast_in_dim3A_38 : i32 to vector<16xi32>
      %scan3A_40 = arith.constant 0 : i32
      %scan3A_41 = arith.constant 128 : i32
      %scan3A_42 = arith.addi %scan3A_40, %scan3A_41 : i32
      %scan3A_43 = arith.constant 1 : i32
      %scan3A_44:10 = scf.for %scan3A_85 = %scan3A_40 to %scan3A_42 step %scan3A_43 iter_args(%scan3A_86 = %broadcast_in_dim3A_21, %scan3A_87 = %broadcast_in_dim3A_23, %scan3A_88 = %broadcast_in_dim3A_25, %scan3A_89 = %broadcast_in_dim3A_27, %scan3A_90 = %broadcast_in_dim3A_29, %scan3A_91 = %broadcast_in_dim3A_31, %scan3A_92 = %broadcast_in_dim3A_33, %scan3A_93 = %broadcast_in_dim3A_35, %scan3A_94 = %broadcast_in_dim3A_37, %scan3A_95 = %broadcast_in_dim3A_39) -> (vector<16xf32>, vector<16xf32>, vector<16xf32>, vector<16xf32>, vector<16xf32>, vector<16xi32>, vector<16xi32>, vector<16xi32>, vector<16xi32>, vector<16xi32>)  : i32 {
        %mul3A_96 = arith.constant 2048 : i32
        %mul3A_97 = arith.muli %scan3A_20, %mul3A_96 : i32
        %mul3A_98 = arith.constant 16 : i32
        %mul3A_99 = arith.muli %scan3A_85, %mul3A_98 : i32
        %add3A_100 = arith.addi %mul3A_97, %mul3A_99 : i32
        %get3A = arith.index_cast %add3A_100 : i32 to index
        %get3A_101 = tpu.vector_load %arg4[%get3A] {strides = array<i32>} : memref<16384xf32, #tpu.memory_space<vmem>>, vector<16xf32>,
        %get3A_102 = vector.shape_cast %get3A_101 : vector<16xf32> to vector<16xf32>
        %gt3A = arith.cmpf ogt, %get3A_102, %scan3A_86 : vector<16xf32>
        %select_n3A = arith.select %gt3A, %get3A_102, %scan3A_86 : vector<16xi1>, vector<16xf32>
        %broadcast_in_dim3A_103 = vector.broadcast %scan3A_85 : i32 to vector<16xi32>
        %select_n3A_104 = arith.select %gt3A, %broadcast_in_dim3A_103, %scan3A_91 : vector<16xi1>, vector<16xi32>
        %select_n3A_105 = arith.select %gt3A, %scan3A_86, %get3A_102 : vector<16xi1>, vector<16xf32>
        %broadcast_in_dim3A_106 = vector.broadcast %scan3A_85 : i32 to vector<16xi32>
        %select_n3A_107 = arith.select %gt3A, %scan3A_91, %broadcast_in_dim3A_106 : vector<16xi1>, vector<16xi32>
        %gt3A_108 = arith.cmpf ogt, %select_n3A_105, %scan3A_87 : vector<16xf32>
        %select_n3A_109 = arith.select %gt3A_108, %select_n3A_105, %scan3A_87 : vector<16xi1>, vector<16xf32>
        %select_n3A_110 = arith.select %gt3A_108, %select_n3A_107, %scan3A_92 : vector<16xi1>, vector<16xi32>
        %select_n3A_111 = arith.select %gt3A_108, %scan3A_87, %select_n3A_105 : vector<16xi1>, vector<16xf32>
        %select_n3A_112 = arith.select %gt3A_108, %scan3A_92, %select_n3A_107 : vector<16xi1>, vector<16xi32>
        %gt3A_113 = arith.cmpf ogt, %select_n3A_111, %scan3A_88 : vector<16xf32>
        %select_n3A_114 = arith.select %gt3A_113, %select_n3A_111, %scan3A_88 : vector<16xi1>, vector<16xf32>
        %select_n3A_115 = arith.select %gt3A_113, %select_n3A_112, %scan3A_93 : vector<16xi1>, vector<16xi32>
        %select_n3A_116 = arith.select %gt3A_113, %scan3A_88, %select_n3A_111 : vector<16xi1>, vector<16xf32>
        %select_n3A_117 = arith.select %gt3A_113, %scan3A_93, %select_n3A_112 : vector<16xi1>, vector<16xi32>
        %gt3A_118 = arith.cmpf ogt, %select_n3A_116, %scan3A_89 : vector<16xf32>
        %select_n3A_119 = arith.select %gt3A_118, %select_n3A_116, %scan3A_89 : vector<16xi1>, vector<16xf32>
        %select_n3A_120 = arith.select %gt3A_118, %select_n3A_117, %scan3A_94 : vector<16xi1>, vector<16xi32>
        %select_n3A_121 = arith.select %gt3A_118, %scan3A_89, %select_n3A_116 : vector<16xi1>, vector<16xf32>
        %select_n3A_122 = arith.select %gt3A_118, %scan3A_94, %select_n3A_117 : vector<16xi1>, vector<16xi32>
        %gt3A_123 = arith.cmpf ogt, %select_n3A_121, %scan3A_90 : vector<16xf32>
        %select_n3A_124 = arith.select %gt3A_123, %select_n3A_121, %scan3A_90 : vector<16xi1>, vector<16xf32>
        %select_n3A_125 = arith.select %gt3A_123, %select_n3A_122, %scan3A_95 : vector<16xi1>, vector<16xi32>
        %select_n3A_126 = arith.select %gt3A_123, %scan3A_90, %select_n3A_121 : vector<16xi1>, vector<16xf32>
        %select_n3A_127 = arith.select %gt3A_123, %scan3A_95, %select_n3A_122 : vector<16xi1>, vector<16xi32>
        scf.yield %select_n3A, %select_n3A_109, %select_n3A_114, %select_n3A_119, %select_n3A_124, %select_n3A_104, %select_n3A_110, %select_n3A_115, %select_n3A_120, %select_n3A_125 : vector<16xf32>, vector<16xf32>, vector<16xf32>, vector<16xf32>, vector<16xf32>, vector<16xi32>, vector<16xi32>, vector<16xi32>, vector<16xi32>, vector<16xi32>
      }
      %scan3A_45 = arith.constant 128 : i32
      %mul3A_46 = arith.constant 16 : i32
      %mul3A_47 = arith.muli %scan3A_20, %mul3A_46 : i32
      %add3A_48 = arith.constant 0 : i32
      %add3A_49 = arith.addi %add3A_48, %mul3A_47 : i32
      %swap3A = arith.index_cast %add3A_49 : i32 to index
      %swap3A_50 = tpu.vector_load %arg5[%swap3A] {strides = array<i32>} : memref<640xi32, #tpu.memory_space<vmem>>, vector<16xi32>,
      %swap3A_51 = vector.shape_cast %swap3A_50 : vector<16xi32> to vector<16xi32>
      %swap3A_52 = vector.shape_cast %scan3A_44#5 : vector<16xi32> to vector<16xi32>
      tpu.vector_store %arg5[%swap3A], %swap3A_52 {strides = array<i32>} : memref<640xi32, #tpu.memory_space<vmem>>, vector<16xi32>,
      %mul3A_53 = arith.constant 16 : i32
      %mul3A_54 = arith.muli %scan3A_20, %mul3A_53 : i32
      %add3A_55 = arith.constant 128 : i32
      %add3A_56 = arith.addi %add3A_55, %mul3A_54 : i32
      %swap3A_57 = arith.index_cast %add3A_56 : i32 to index
      %swap3A_58 = tpu.vector_load %arg5[%swap3A_57] {strides = array<i32>} : memref<640xi32, #tpu.memory_space<vmem>>, vector<16xi32>,
      %swap3A_59 = vector.shape_cast %swap3A_58 : vector<16xi32> to vector<16xi32>
      %swap3A_60 = vector.shape_cast %scan3A_44#6 : vector<16xi32> to vector<16xi32>
      tpu.vector_store %arg5[%swap3A_57], %swap3A_60 {strides = array<i32>} : memref<640xi32, #tpu.memory_space<vmem>>, vector<16xi32>,
      %mul3A_61 = arith.constant 16 : i32
      %mul3A_62 = arith.muli %scan3A_20, %mul3A_61 : i32
      %add3A_63 = arith.constant 256 : i32
      %add3A_64 = arith.addi %add3A_63, %mul3A_62 : i32
      %swap3A_65 = arith.index_cast %add3A_64 : i32 to index
      %swap3A_66 = tpu.vector_load %arg5[%swap3A_65] {strides = array<i32>} : memref<640xi32, #tpu.memory_space<vmem>>, vector<16xi32>,
      %swap3A_67 = vector.shape_cast %swap3A_66 : vector<16xi32> to vector<16xi32>
      %swap3A_68 = vector.shape_cast %scan3A_44#7 : vector<16xi32> to vector<16xi32>
      tpu.vector_store %arg5[%swap3A_65], %swap3A_68 {strides = array<i32>} : memref<640xi32, #tpu.memory_space<vmem>>, vector<16xi32>,
      %mul3A_69 = arith.constant 16 : i32
      %mul3A_70 = arith.muli %scan3A_20, %mul3A_69 : i32
      %add3A_71 = arith.constant 384 : i32
      %add3A_72 = arith.addi %add3A_71, %mul3A_70 : i32
      %swap3A_73 = arith.index_cast %add3A_72 : i32 to index
      %swap3A_74 = tpu.vector_load %arg5[%swap3A_73] {strides = array<i32>} : memref<640xi32, #tpu.memory_space<vmem>>, vector<16xi32>,
      %swap3A_75 = vector.shape_cast %swap3A_74 : vector<16xi32> to vector<16xi32>
      %swap3A_76 = vector.shape_cast %scan3A_44#8 : vector<16xi32> to vector<16xi32>
      tpu.vector_store %arg5[%swap3A_73], %swap3A_76 {strides = array<i32>} : memref<640xi32, #tpu.memory_space<vmem>>, vector<16xi32>,
      %mul3A_77 = arith.constant 16 : i32
      %mul3A_78 = arith.muli %scan3A_20, %mul3A_77 : i32
      %add3A_79 = arith.constant 512 : i32
      %add3A_80 = arith.addi %add3A_79, %mul3A_78 : i32
      %swap3A_81 = arith.index_cast %add3A_80 : i32 to index
      %swap3A_82 = tpu.vector_load %arg5[%swap3A_81] {strides = array<i32>} : memref<640xi32, #tpu.memory_space<vmem>>, vector<16xi32>,
      %swap3A_83 = vector.shape_cast %swap3A_82 : vector<16xi32> to vector<16xi32>
      %swap3A_84 = vector.shape_cast %scan3A_44#9 : vector<16xi32> to vector<16xi32>
      tpu.vector_store %arg5[%swap3A_81], %swap3A_84 {strides = array<i32>} : memref<640xi32, #tpu.memory_space<vmem>>, vector<16xi32>,
    }
    %scan3A_9 = arith.constant 8 : i32
    %add3A_10 = arith.constant 0 : i32
    %add3A_11 = arith.addi %add3A_10, %mul3A_2 : i32
    "tpu.region"() ({
      %run_scoped3A = tpu.sem_alloc : memref<!tpu.dma_semaphore, #tpu.memory_space<semaphore_mem>>
      %dma_start3A = arith.constant 0 : i32
      %dma_start3A_20 = tpu.memref_slice %arg5[%dma_start3A] : memref<640xi32, #tpu.memory_space<vmem>> -> memref<128xi32, #tpu.memory_space<vmem>>
      %dma_start3A_21 = tpu.memref_slice %arg3[%add3A_11] : memref<20480xi32, #tpu.memory_space<hbm>> -> memref<128xi32, #tpu.memory_space<hbm>>
      %dma_start3A_22 = tpu.memref_slice %arg3[%add3A_11] : memref<20480xi32, #tpu.memory_space<hbm>> -> memref<128xi32, #tpu.memory_space<hbm>>
      %dma_start3A_23 = arith.constant 0 : i32
      %dma_start3A_24 = tpu.memref_slice %arg5[%dma_start3A_23] : memref<640xi32, #tpu.memory_space<vmem>> -> memref<128xi32, #tpu.memory_space<vmem>>
      tpu.enqueue_dma source(%dma_start3A_24 : memref<128xi32, #tpu.memory_space<vmem>>) target(%dma_start3A_22 : memref<128xi32, #tpu.memory_space<hbm>>) target_semaphore(%run_scoped3A : memref<!tpu.dma_semaphore, #tpu.memory_space<semaphore_mem>>)
      %dma_wait3A = arith.constant 0 : i32
      %dma_wait3A_25 = tpu.memref_slice %arg5[%dma_wait3A] : memref<640xi32, #tpu.memory_space<vmem>> -> memref<128xi32, #tpu.memory_space<vmem>>
      %dma_wait3A_26 = tpu.memref_slice %arg3[%add3A_11] : memref<20480xi32, #tpu.memory_space<hbm>> -> memref<128xi32, #tpu.memory_space<hbm>>
      %dma_wait3A_27 = tpu.memref_slice %arg3[%add3A_11] : memref<20480xi32, #tpu.memory_space<hbm>> -> memref<128xi32, #tpu.memory_space<hbm>>
      %dma_wait3A_28 = arith.constant 0 : i32
      %dma_wait3A_29 = tpu.memref_slice %arg5[%dma_wait3A_28] : memref<640xi32, #tpu.memory_space<vmem>> -> memref<128xi32, #tpu.memory_space<vmem>>
      tpu.wait_dma2 semaphore(%run_scoped3A : memref<!tpu.dma_semaphore, #tpu.memory_space<semaphore_mem>>) src(%dma_wait3A_29 : memref<128xi32, #tpu.memory_space<vmem>>) dst(%dma_wait3A_27 : memref<128xi32, #tpu.memory_space<hbm>>)
      tpu.yield
    }) : () -> ()
    %add3A_12 = arith.constant 4096 : i32
    %add3A_13 = arith.addi %add3A_12, %mul3A_2 : i32
    "tpu.region"() ({
      %run_scoped3A = tpu.sem_alloc : memref<!tpu.dma_semaphore, #tpu.memory_space<semaphore_mem>>
      %dma_start3A = arith.constant 128 : i32
      %dma_start3A_20 = tpu.memref_slice %arg5[%dma_start3A] : memref<640xi32, #tpu.memory_space<vmem>> -> memref<128xi32, #tpu.memory_space<vmem>>
      %dma_start3A_21 = tpu.memref_slice %arg3[%add3A_13] : memref<20480xi32, #tpu.memory_space<hbm>> -> memref<128xi32, #tpu.memory_space<hbm>>
      %dma_start3A_22 = tpu.memref_slice %arg3[%add3A_13] : memref<20480xi32, #tpu.memory_space<hbm>> -> memref<128xi32, #tpu.memory_space<hbm>>
      %dma_start3A_23 = arith.constant 128 : i32
      %dma_start3A_24 = tpu.memref_slice %arg5[%dma_start3A_23] : memref<640xi32, #tpu.memory_space<vmem>> -> memref<128xi32, #tpu.memory_space<vmem>>
      tpu.enqueue_dma source(%dma_start3A_24 : memref<128xi32, #tpu.memory_space<vmem>>) target(%dma_start3A_22 : memref<128xi32, #tpu.memory_space<hbm>>) target_semaphore(%run_scoped3A : memref<!tpu.dma_semaphore, #tpu.memory_space<semaphore_mem>>)
      %dma_wait3A = arith.constant 128 : i32
      %dma_wait3A_25 = tpu.memref_slice %arg5[%dma_wait3A] : memref<640xi32, #tpu.memory_space<vmem>> -> memref<128xi32, #tpu.memory_space<vmem>>
      %dma_wait3A_26 = tpu.memref_slice %arg3[%add3A_13] : memref<20480xi32, #tpu.memory_space<hbm>> -> memref<128xi32, #tpu.memory_space<hbm>>
      %dma_wait3A_27 = tpu.memref_slice %arg3[%add3A_13] : memref<20480xi32, #tpu.memory_space<hbm>> -> memref<128xi32, #tpu.memory_space<hbm>>
      %dma_wait3A_28 = arith.constant 128 : i32
      %dma_wait3A_29 = tpu.memref_slice %arg5[%dma_wait3A_28] : memref<640xi32, #tpu.memory_space<vmem>> -> memref<128xi32, #tpu.memory_space<vmem>>
      tpu.wait_dma2 semaphore(%run_scoped3A : memref<!tpu.dma_semaphore, #tpu.memory_space<semaphore_mem>>) src(%dma_wait3A_29 : memref<128xi32, #tpu.memory_space<vmem>>) dst(%dma_wait3A_27 : memref<128xi32, #tpu.memory_space<hbm>>)
      tpu.yield
    }) : () -> ()
    %add3A_14 = arith.constant 8192 : i32
    %add3A_15 = arith.addi %add3A_14, %mul3A_2 : i32
    "tpu.region"() ({
      %run_scoped3A = tpu.sem_alloc : memref<!tpu.dma_semaphore, #tpu.memory_space<semaphore_mem>>
      %dma_start3A = arith.constant 256 : i32
      %dma_start3A_20 = tpu.memref_slice %arg5[%dma_start3A] : memref<640xi32, #tpu.memory_space<vmem>> -> memref<128xi32, #tpu.memory_space<vmem>>
      %dma_start3A_21 = tpu.memref_slice %arg3[%add3A_15] : memref<20480xi32, #tpu.memory_space<hbm>> -> memref<128xi32, #tpu.memory_space<hbm>>
      %dma_start3A_22 = tpu.memref_slice %arg3[%add3A_15] : memref<20480xi32, #tpu.memory_space<hbm>> -> memref<128xi32, #tpu.memory_space<hbm>>
      %dma_start3A_23 = arith.constant 256 : i32
      %dma_start3A_24 = tpu.memref_slice %arg5[%dma_start3A_23] : memref<640xi32, #tpu.memory_space<vmem>> -> memref<128xi32, #tpu.memory_space<vmem>>
      tpu.enqueue_dma source(%dma_start3A_24 : memref<128xi32, #tpu.memory_space<vmem>>) target(%dma_start3A_22 : memref<128xi32, #tpu.memory_space<hbm>>) target_semaphore(%run_scoped3A : memref<!tpu.dma_semaphore, #tpu.memory_space<semaphore_mem>>)
      %dma_wait3A = arith.constant 256 : i32
      %dma_wait3A_25 = tpu.memref_slice %arg5[%dma_wait3A] : memref<640xi32, #tpu.memory_space<vmem>> -> memref<128xi32, #tpu.memory_space<vmem>>
      %dma_wait3A_26 = tpu.memref_slice %arg3[%add3A_15] : memref<20480xi32, #tpu.memory_space<hbm>> -> memref<128xi32, #tpu.memory_space<hbm>>
      %dma_wait3A_27 = tpu.memref_slice %arg3[%add3A_15] : memref<20480xi32, #tpu.memory_space<hbm>> -> memref<128xi32, #tpu.memory_space<hbm>>
      %dma_wait3A_28 = arith.constant 256 : i32
      %dma_wait3A_29 = tpu.memref_slice %arg5[%dma_wait3A_28] : memref<640xi32, #tpu.memory_space<vmem>> -> memref<128xi32, #tpu.memory_space<vmem>>
      tpu.wait_dma2 semaphore(%run_scoped3A : memref<!tpu.dma_semaphore, #tpu.memory_space<semaphore_mem>>) src(%dma_wait3A_29 : memref<128xi32, #tpu.memory_space<vmem>>) dst(%dma_wait3A_27 : memref<128xi32, #tpu.memory_space<hbm>>)
      tpu.yield
    }) : () -> ()
    %add3A_16 = arith.constant 12288 : i32
    %add3A_17 = arith.addi %add3A_16, %mul3A_2 : i32
    "tpu.region"() ({
      %run_scoped3A = tpu.sem_alloc : memref<!tpu.dma_semaphore, #tpu.memory_space<semaphore_mem>>
      %dma_start3A = arith.constant 384 : i32
      %dma_start3A_20 = tpu.memref_slice %arg5[%dma_start3A] : memref<640xi32, #tpu.memory_space<vmem>> -> memref<128xi32, #tpu.memory_space<vmem>>
      %dma_start3A_21 = tpu.memref_slice %arg3[%add3A_17] : memref<20480xi32, #tpu.memory_space<hbm>> -> memref<128xi32, #tpu.memory_space<hbm>>
      %dma_start3A_22 = tpu.memref_slice %arg3[%add3A_17] : memref<20480xi32, #tpu.memory_space<hbm>> -> memref<128xi32, #tpu.memory_space<hbm>>
      %dma_start3A_23 = arith.constant 384 : i32
      %dma_start3A_24 = tpu.memref_slice %arg5[%dma_start3A_23] : memref<640xi32, #tpu.memory_space<vmem>> -> memref<128xi32, #tpu.memory_space<vmem>>
      tpu.enqueue_dma source(%dma_start3A_24 : memref<128xi32, #tpu.memory_space<vmem>>) target(%dma_start3A_22 : memref<128xi32, #tpu.memory_space<hbm>>) target_semaphore(%run_scoped3A : memref<!tpu.dma_semaphore, #tpu.memory_space<semaphore_mem>>)
      %dma_wait3A = arith.constant 384 : i32
      %dma_wait3A_25 = tpu.memref_slice %arg5[%dma_wait3A] : memref<640xi32, #tpu.memory_space<vmem>> -> memref<128xi32, #tpu.memory_space<vmem>>
      %dma_wait3A_26 = tpu.memref_slice %arg3[%add3A_17] : memref<20480xi32, #tpu.memory_space<hbm>> -> memref<128xi32, #tpu.memory_space<hbm>>
      %dma_wait3A_27 = tpu.memref_slice %arg3[%add3A_17] : memref<20480xi32, #tpu.memory_space<hbm>> -> memref<128xi32, #tpu.memory_space<hbm>>
      %dma_wait3A_28 = arith.constant 384 : i32
      %dma_wait3A_29 = tpu.memref_slice %arg5[%dma_wait3A_28] : memref<640xi32, #tpu.memory_space<vmem>> -> memref<128xi32, #tpu.memory_space<vmem>>
      tpu.wait_dma2 semaphore(%run_scoped3A : memref<!tpu.dma_semaphore, #tpu.memory_space<semaphore_mem>>) src(%dma_wait3A_29 : memref<128xi32, #tpu.memory_space<vmem>>) dst(%dma_wait3A_27 : memref<128xi32, #tpu.memory_space<hbm>>)
      tpu.yield
    }) : () -> ()
    %add3A_18 = arith.constant 16384 : i32
    %add3A_19 = arith.addi %add3A_18, %mul3A_2 : i32
    "tpu.region"() ({
      %run_scoped3A = tpu.sem_alloc : memref<!tpu.dma_semaphore, #tpu.memory_space<semaphore_mem>>
      %dma_start3A = arith.constant 512 : i32
      %dma_start3A_20 = tpu.memref_slice %arg5[%dma_start3A] : memref<640xi32, #tpu.memory_space<vmem>> -> memref<128xi32, #tpu.memory_space<vmem>>
      %dma_start3A_21 = tpu.memref_slice %arg3[%add3A_19] : memref<20480xi32, #tpu.memory_space<hbm>> -> memref<128xi32, #tpu.memory_space<hbm>>
      %dma_start3A_22 = tpu.memref_slice %arg3[%add3A_19] : memref<20480xi32, #tpu.memory_space<hbm>> -> memref<128xi32, #tpu.memory_space<hbm>>
      %dma_start3A_23 = arith.constant 512 : i32
      %dma_start3A_24 = tpu.memref_slice %arg5[%dma_start3A_23] : memref<640xi32, #tpu.memory_space<vmem>> -> memref<128xi32, #tpu.memory_space<vmem>>
      tpu.enqueue_dma source(%dma_start3A_24 : memref<128xi32, #tpu.memory_space<vmem>>) target(%dma_start3A_22 : memref<128xi32, #tpu.memory_space<hbm>>) target_semaphore(%run_scoped3A : memref<!tpu.dma_semaphore, #tpu.memory_space<semaphore_mem>>)
      %dma_wait3A = arith.constant 512 : i32
      %dma_wait3A_25 = tpu.memref_slice %arg5[%dma_wait3A] : memref<640xi32, #tpu.memory_space<vmem>> -> memref<128xi32, #tpu.memory_space<vmem>>
      %dma_wait3A_26 = tpu.memref_slice %arg3[%add3A_19] : memref<20480xi32, #tpu.memory_space<hbm>> -> memref<128xi32, #tpu.memory_space<hbm>>
      %dma_wait3A_27 = tpu.memref_slice %arg3[%add3A_19] : memref<20480xi32, #tpu.memory_space<hbm>> -> memref<128xi32, #tpu.memory_space<hbm>>
      %dma_wait3A_28 = arith.constant 512 : i32
      %dma_wait3A_29 = tpu.memref_slice %arg5[%dma_wait3A_28] : memref<640xi32, #tpu.memory_space<vmem>> -> memref<128xi32, #tpu.memory_space<vmem>>
      tpu.wait_dma2 semaphore(%run_scoped3A : memref<!tpu.dma_semaphore, #tpu.memory_space<semaphore_mem>>) src(%dma_wait3A_29 : memref<128xi32, #tpu.memory_space<vmem>>) dst(%dma_wait3A_27 : memref<128xi32, #tpu.memory_space<hbm>>)
      tpu.yield
    }) : () -> ()
    return
  }
}

module attributes {stable_mosaic.version = 14 : i64} {
  func.func @_mm_exp_kernel(%arg0: i32, %arg1: i32, %arg2: memref<512x512xf32, #tpu.memory_space<vmem>>, %arg3: memref<512x512xf32, #tpu.memory_space<vmem>>, %arg4: memref<512x512xbf16, #tpu.memory_space<vmem>>, %arg5: memref<8x512xf32, #tpu.memory_space<vmem>>) attributes {dimension_semantics = [#tpu.dimension_semantics<arbitrary>, #tpu.dimension_semantics<arbitrary>], iteration_bounds = array<i64: 10, 8>, scalar_prefetch = 0 : i64, scratch_operands = 0 : i64, tpu.core_type = #tpu.core_type<tc>, window_params = [{transform_indices = @transform_0, window_bounds = array<i64: 512, 512>}, {transform_indices = @transform_1, window_bounds = array<i64: 512, 512>}, {transform_indices = @transform_2, window_bounds = array<i64: 512, 512>}, {transform_indices = @transform_3, window_bounds = array<i64: 8, 512>}]} {
    %get3A = arith.constant 0 : index
    %get3A_0 = arith.constant 0 : index
    %get3A_1 = vector.load %arg2[%get3A, %get3A_0] : memref<512x512xf32, #tpu.memory_space<vmem>>, vector<512x512xf32>
    %get3A_2 = arith.constant 0 : index
    %get3A_3 = arith.constant 0 : index
    %get3A_4 = vector.load %arg3[%get3A_2, %get3A_3] : memref<512x512xf32, #tpu.memory_space<vmem>>, vector<512x512xf32>
    %dot_general3A = arith.constant dense<0.000000e+00> : vector<512x512xf32>
    %dot_general3A_5 = tpu.matmul %get3A_1, %get3A_4, %dot_general3A {dimension_numbers = #tpu.dot_dimension_numbers<[1], [1], [0], [0], [0, 0, 1, 0], [], []>, transpose_lhs_hint = false} : vector<512x512xf32>, vector<512x512xf32>, vector<512x512xf32> -> vector<512x512xf32>
    %mul3A = arith.constant 512 : i32
    %mul3A_6 = arith.muli %arg0, %mul3A : i32
    %iota3A = tpu.iota {dimensions = array<i32: 1>} : vector<512x512xi32>
    %add3A = vector.broadcast %mul3A_6 : i32 to vector<512x512xi32>
    %add3A_7 = arith.addi %add3A, %iota3A : vector<512x512xi32>
    %lt3A = arith.constant 5000 : i32
    %lt3A_8 = vector.broadcast %lt3A : i32 to vector<512x512xi32>
    %lt3A_9 = arith.cmpi slt, %add3A_7, %lt3A_8 : vector<512x512xi32>
    %mul3A_10 = arith.constant 2.000000e+01 : f32
    %mul3A_11 = vector.broadcast %mul3A_10 : f32 to vector<512x512xf32>
    %mul3A_12 = arith.mulf %dot_general3A_5, %mul3A_11 : vector<512x512xf32>
    %exp3A = math.exp %mul3A_12 : vector<512x512xf32>
    %jit3A = arith.constant 0.000000e+00 : f32
    %broadcast_in_dim3A = vector.broadcast %jit3A : f32 to vector<512x512xf32>
    %select_n3A = arith.select %lt3A_9, %exp3A, %broadcast_in_dim3A : vector<512x512xi1>, vector<512x512xf32>
    %convert_element_type3A = arith.truncf %select_n3A : vector<512x512xf32> to vector<512x512xbf16>
    %swap3A = arith.constant 0 : index
    %swap3A_13 = arith.constant 0 : index
    %swap3A_14 = vector.load %arg4[%swap3A, %swap3A_13] : memref<512x512xbf16, #tpu.memory_space<vmem>>, vector<512x512xbf16>
    tpu.vector_store %arg4[%swap3A, %swap3A_13], %convert_element_type3A {strides = array<i32>} : memref<512x512xbf16, #tpu.memory_space<vmem>>, vector<512x512xbf16>,
    %reduce_sum3A = arith.constant dense<0.000000e+00> : vector<512xf32>
    %reduce_sum3A_15 = vector.multi_reduction <add>, %select_n3A, %reduce_sum3A [0] : vector<512x512xf32> to vector<512xf32>
    %broadcast_in_dim3A_16 = vector.shape_cast %reduce_sum3A_15 : vector<512xf32> to vector<1x512xf32>
    %swap3A_17 = arith.index_cast %arg1 : i32 to index
    %swap3A_18 = arith.constant 0 : index
    %swap3A_19 = vector.load %arg5[%swap3A_17, %swap3A_18] : memref<8x512xf32, #tpu.memory_space<vmem>>, vector<1x512xf32>
    tpu.vector_store %arg5[%swap3A_17, %swap3A_18], %broadcast_in_dim3A_16 {strides = array<i32>} : memref<8x512xf32, #tpu.memory_space<vmem>>, vector<1x512xf32>,
    return
  }
  func.func @transform_0(%arg0: i32, %arg1: i32) -> (i32, i32) {
    %c0_i32 = arith.constant 0 : i32
    %c0_i32_0 = arith.constant 0 : i32
    return %arg1, %c0_i32 : i32, i32
  }
  func.func @transform_1(%arg0: i32, %arg1: i32) -> (i32, i32) {
    %c0_i32 = arith.constant 0 : i32
    %c0_i32_0 = arith.constant 0 : i32
    return %arg0, %c0_i32 : i32, i32
  }
  func.func @transform_2(%arg0: i32, %arg1: i32) -> (i32, i32) {
    %c0_i32 = arith.constant 0 : i32
    return %arg1, %arg0 : i32, i32
  }
  func.func @transform_3(%arg0: i32, %arg1: i32) -> (i32, i32) {
    %c0_i32 = arith.constant 0 : i32
    %c0_i32_0 = arith.constant 0 : i32
    return %c0_i32, %arg0 : i32, i32
  }
}

module attributes {stable_mosaic.version = 14 : i64} {
  func.func @_rowsum_kernel(%arg0: i32, %arg1: i32, %arg2: memref<512x512xbf16, #tpu.memory_space<vmem>>, %arg3: memref<1x512xf32, #tpu.memory_space<vmem>>, %arg4: memref<512x1xf32, #tpu.memory_space<vmem>>) attributes {dimension_semantics = [#tpu.dimension_semantics<arbitrary>, #tpu.dimension_semantics<arbitrary>], iteration_bounds = array<i64: 8, 10>, scalar_prefetch = 0 : i64, scratch_operands = 0 : i64, tpu.core_type = #tpu.core_type<tc>, window_params = [{transform_indices = @transform_0, window_bounds = array<i64: 512, 512>}, {transform_indices = @transform_1, window_bounds = array<i64: 1, 512>}, {transform_indices = @transform_2, window_bounds = array<i64: 512, 1>}]} {
    %eq3A = arith.constant 0 : i32
    %eq3A_0 = arith.cmpi eq, %arg1, %eq3A : i32
    %convert_element_type3A = arith.extui %eq3A_0 : i1 to i32
    %cond3A = arith.constant 0 : i32
    %cond3A_1 = arith.cmpi ne, %convert_element_type3A, %cond3A : i32
    scf.if %cond3A_1 {
      %broadcast_in_dim3A = arith.constant 0.000000e+00 : f32
      %broadcast_in_dim3A_14 = vector.broadcast %broadcast_in_dim3A : f32 to vector<512x1xf32>
      %swap3A_15 = arith.constant 0 : index
      %swap3A_16 = arith.constant 0 : index
      %swap3A_17 = vector.load %arg4[%swap3A_15, %swap3A_16] : memref<512x1xf32, #tpu.memory_space<vmem>>, vector<512x1xf32>
      tpu.vector_store %arg4[%swap3A_15, %swap3A_16], %broadcast_in_dim3A_14 {strides = array<i32>} : memref<512x1xf32, #tpu.memory_space<vmem>>, vector<512x1xf32>,
    } else {
    }
    %get3A = arith.constant 0 : index
    %get3A_2 = arith.constant 0 : index
    %get3A_3 = vector.load %arg4[%get3A, %get3A_2] : memref<512x1xf32, #tpu.memory_space<vmem>>, vector<512x1xf32>
    %get3A_4 = arith.constant 0 : index
    %get3A_5 = arith.constant 0 : index
    %get3A_6 = vector.load %arg2[%get3A_4, %get3A_5] : memref<512x512xbf16, #tpu.memory_space<vmem>>, vector<512x512xbf16>
    %convert_element_type3A_7 = arith.extf %get3A_6 : vector<512x512xbf16> to vector<512x512xf32>
    %get3A_8 = arith.constant 0 : index
    %get3A_9 = arith.constant 0 : index
    %get3A_10 = vector.load %arg3[%get3A_8, %get3A_9] : memref<1x512xf32, #tpu.memory_space<vmem>>, vector<1x512xf32>
    %dot_general3A = arith.constant dense<0.000000e+00> : vector<512x1xf32>
    %dot_general3A_11 = tpu.matmul %convert_element_type3A_7, %get3A_10, %dot_general3A {dimension_numbers = #tpu.dot_dimension_numbers<[1], [1], [0], [0], [0, 0, 1, 0], [], []>, transpose_lhs_hint = false} : vector<512x512xf32>, vector<1x512xf32>, vector<512x1xf32> -> vector<512x1xf32>
    %add3A = arith.addf %get3A_3, %dot_general3A_11 : vector<512x1xf32>
    %swap3A = arith.constant 0 : index
    %swap3A_12 = arith.constant 0 : index
    %swap3A_13 = vector.load %arg4[%swap3A, %swap3A_12] : memref<512x1xf32, #tpu.memory_space<vmem>>, vector<512x1xf32>
    tpu.vector_store %arg4[%swap3A, %swap3A_12], %add3A {strides = array<i32>} : memref<512x1xf32, #tpu.memory_space<vmem>>, vector<512x1xf32>,
    return
  }
  func.func @transform_0(%arg0: i32, %arg1: i32) -> (i32, i32) {
    %c0_i32 = arith.constant 0 : i32
    return %arg0, %arg1 : i32, i32
  }
  func.func @transform_1(%arg0: i32, %arg1: i32) -> (i32, i32) {
    %c0_i32 = arith.constant 0 : i32
    %c0_i32_0 = arith.constant 0 : i32
    return %c0_i32, %arg1 : i32, i32
  }
  func.func @transform_2(%arg0: i32, %arg1: i32) -> (i32, i32) {
    %c0_i32 = arith.constant 0 : i32
    %c0_i32_0 = arith.constant 0 : i32
    return %arg0, %c0_i32 : i32, i32
  }
}

module attributes {stable_mosaic.version = 14 : i64} {
  func.func @_colsum_kernel(%arg0: i32, %arg1: i32, %arg2: memref<512x512xbf16, #tpu.memory_space<vmem>>, %arg3: memref<512x1xf32, #tpu.memory_space<vmem>>, %arg4: memref<8x512xf32, #tpu.memory_space<vmem>>) attributes {dimension_semantics = [#tpu.dimension_semantics<arbitrary>, #tpu.dimension_semantics<arbitrary>], iteration_bounds = array<i64: 10, 8>, scalar_prefetch = 0 : i64, scratch_operands = 0 : i64, tpu.core_type = #tpu.core_type<tc>, window_params = [{transform_indices = @transform_0, window_bounds = array<i64: 512, 512>}, {transform_indices = @transform_1, window_bounds = array<i64: 512, 1>}, {transform_indices = @transform_2, window_bounds = array<i64: 8, 512>}]} {
    %get3A = arith.constant 0 : index
    %get3A_0 = arith.constant 0 : index
    %get3A_1 = vector.load %arg2[%get3A, %get3A_0] : memref<512x512xbf16, #tpu.memory_space<vmem>>, vector<512x512xbf16>
    %convert_element_type3A = arith.extf %get3A_1 : vector<512x512xbf16> to vector<512x512xf32>
    %get3A_2 = arith.constant 0 : index
    %get3A_3 = arith.constant 0 : index
    %get3A_4 = vector.load %arg3[%get3A_2, %get3A_3] : memref<512x1xf32, #tpu.memory_space<vmem>>, vector<512x1xf32>
    %dot_general3A = arith.constant dense<0.000000e+00> : vector<1x512xf32>
    %dot_general3A_5 = tpu.matmul %get3A_4, %convert_element_type3A, %dot_general3A {dimension_numbers = #tpu.dot_dimension_numbers<[0], [0], [1], [1], [0, 1, 1, 1], [], []>, transpose_lhs_hint = false} : vector<512x1xf32>, vector<512x512xf32>, vector<1x512xf32> -> vector<1x512xf32>
    %swap3A = arith.index_cast %arg1 : i32 to index
    %swap3A_6 = arith.constant 0 : index
    %swap3A_7 = vector.load %arg4[%swap3A, %swap3A_6] : memref<8x512xf32, #tpu.memory_space<vmem>>, vector<1x512xf32>
    tpu.vector_store %arg4[%swap3A, %swap3A_6], %dot_general3A_5 {strides = array<i32>} : memref<8x512xf32, #tpu.memory_space<vmem>>, vector<1x512xf32>,
    return
  }
  func.func @transform_0(%arg0: i32, %arg1: i32) -> (i32, i32) {
    %c0_i32 = arith.constant 0 : i32
    return %arg1, %arg0 : i32, i32
  }
  func.func @transform_1(%arg0: i32, %arg1: i32) -> (i32, i32) {
    %c0_i32 = arith.constant 0 : i32
    %c0_i32_0 = arith.constant 0 : i32
    return %arg1, %c0_i32 : i32, i32
  }
  func.func @transform_2(%arg0: i32, %arg1: i32) -> (i32, i32) {
    %c0_i32 = arith.constant 0 : i32
    %c0_i32_0 = arith.constant 0 : i32
    return %c0_i32, %arg0 : i32, i32
  }
}

module attributes {stable_mosaic.version = 14 : i64} {
  func.func @_compact_kernel(%arg0: i32, %arg1: memref<512x5120xbf16, #tpu.memory_space<vmem>>, %arg2: memref<1x5120xf32, #tpu.memory_space<vmem>>, %arg3: memref<512x1xi32, #tpu.memory_space<vmem>>, %arg4: memref<5120x128xf32, #tpu.memory_space<vmem>>, %arg5: memref<512x128xf32, #tpu.memory_space<vmem>>) attributes {dimension_semantics = [#tpu.dimension_semantics<arbitrary>], iteration_bounds = array<i64: 8>, scalar_prefetch = 0 : i64, scratch_operands = 0 : i64, tpu.core_type = #tpu.core_type<tc>, window_params = [{transform_indices = @transform_0, window_bounds = array<i64: 512, 5120>}, {pipeline_mode = #tpu.pipeline_mode<synchronous>, transform_indices = @transform_1, window_bounds = array<i64: 1, 5120>}, {transform_indices = @transform_2, window_bounds = array<i64: 512, 1>}, {pipeline_mode = #tpu.pipeline_mode<synchronous>, transform_indices = @transform_3, window_bounds = array<i64: 5120, 128>}, {transform_indices = @transform_4, window_bounds = array<i64: 512, 128>}]} {
    %get3A = arith.constant 0 : index
    %get3A_0 = arith.constant 0 : index
    %get3A_1 = vector.load %arg1[%get3A, %get3A_0] : memref<512x5120xbf16, #tpu.memory_space<vmem>>, vector<512x5120xbf16>
    %convert_element_type3A = arith.extf %get3A_1 : vector<512x5120xbf16> to vector<512x5120xf32>
    %get3A_2 = arith.constant 0 : index
    %get3A_3 = arith.constant 0 : index
    %get3A_4 = vector.load %arg3[%get3A_2, %get3A_3] : memref<512x1xi32, #tpu.memory_space<vmem>>, vector<512x1xi32>
    %iota3A = tpu.iota {dimensions = array<i32: 1>} : vector<512x5120xi32>
    %jit3A = arith.constant 50 : i32
    %eq3A = arith.constant 0 : i32
    %eq3A_5 = arith.cmpi eq, %jit3A, %eq3A : i32
    %jit3A_6 = arith.constant 1 : i32
    %select_n3A = arith.select %eq3A_5, %jit3A_6, %jit3A : i32
    %rem3A = vector.broadcast %select_n3A : i32 to vector<512x5120xi32>
    %rem3A_7 = arith.remsi %iota3A, %rem3A : vector<512x5120xi32>
    %ne3A = arith.constant 0 : i32
    %ne3A_8 = vector.broadcast %ne3A : i32 to vector<512x5120xi32>
    %ne3A_9 = arith.cmpi ne, %rem3A_7, %ne3A_8 : vector<512x5120xi32>
    %lt3A = arith.constant 0 : i32
    %lt3A_10 = vector.broadcast %lt3A : i32 to vector<512x5120xi32>
    %lt3A_11 = arith.cmpi slt, %rem3A_7, %lt3A_10 : vector<512x5120xi32>
    %lt3A_12 = arith.constant 0 : i32
    %lt3A_13 = arith.cmpi slt, %select_n3A, %lt3A_12 : i32
    %ne3A_14 = vector.broadcast %lt3A_13 : i1 to vector<512x5120xi1>
    %ne3A_15 = vector.broadcast %ne3A_14 : vector<512x5120xi1> to vector<512x5120xi1>
    %ne3A_16 = arith.xori %lt3A_11, %ne3A_15 : vector<512x5120xi1>
    %and3A = arith.andi %ne3A_16, %ne3A_9 : vector<512x5120xi1>
    %add3A = vector.broadcast %select_n3A : i32 to vector<512x5120xi32>
    %add3A_17 = arith.addi %rem3A_7, %add3A : vector<512x5120xi32>
    %select_n3A_18 = arith.select %and3A, %add3A_17, %rem3A_7 : vector<512x5120xi1>, vector<512x5120xi32>
    %eq3A_19 = vector.broadcast %get3A_4 : vector<512x1xi32> to vector<512x5120xi32>
    %eq3A_20 = arith.cmpi eq, %select_n3A_18, %eq3A_19 : vector<512x5120xi32>
    %get3A_21 = arith.constant 0 : index
    %get3A_22 = arith.constant 0 : index
    %get3A_23 = vector.load %arg2[%get3A_21, %get3A_22] : memref<1x5120xf32, #tpu.memory_space<vmem>>, vector<1x5120xf32>
    %mul3A = vector.broadcast %get3A_23 : vector<1x5120xf32> to vector<512x5120xf32>
    %mul3A_24 = arith.mulf %convert_element_type3A, %mul3A : vector<512x5120xf32>
    %jit3A_25 = arith.constant 0.000000e+00 : f32
    %broadcast_in_dim3A = vector.broadcast %jit3A_25 : f32 to vector<512x5120xf32>
    %select_n3A_26 = arith.select %eq3A_20, %mul3A_24, %broadcast_in_dim3A : vector<512x5120xi1>, vector<512x5120xf32>
    %get3A_27 = arith.constant 0 : index
    %get3A_28 = arith.constant 0 : index
    %get3A_29 = vector.load %arg4[%get3A_27, %get3A_28] : memref<5120x128xf32, #tpu.memory_space<vmem>>, vector<5120x128xf32>
    %dot_general3A = arith.constant dense<0.000000e+00> : vector<512x128xf32>
    %dot_general3A_30 = tpu.matmul %select_n3A_26, %get3A_29, %dot_general3A {dimension_numbers = #tpu.dot_dimension_numbers<[1], [0], [0], [1], [0, 0, 1, 1], [], []>, transpose_lhs_hint = false} : vector<512x5120xf32>, vector<5120x128xf32>, vector<512x128xf32> -> vector<512x128xf32>
    %swap3A = arith.constant 0 : index
    %swap3A_31 = arith.constant 0 : index
    %swap3A_32 = vector.load %arg5[%swap3A, %swap3A_31] : memref<512x128xf32, #tpu.memory_space<vmem>>, vector<512x128xf32>
    tpu.vector_store %arg5[%swap3A, %swap3A_31], %dot_general3A_30 {strides = array<i32>} : memref<512x128xf32, #tpu.memory_space<vmem>>, vector<512x128xf32>,
    return
  }
  func.func @transform_0(%arg0: i32) -> (i32, i32) {
    %c0_i32 = arith.constant 0 : i32
    %c0_i32_0 = arith.constant 0 : i32
    return %arg0, %c0_i32 : i32, i32
  }
  func.func @transform_1(%arg0: i32) -> (i32, i32) {
    %c0_i32 = arith.constant 0 : i32
    %c0_i32_0 = arith.constant 0 : i32
    %c0_i32_1 = arith.constant 0 : i32
    return %c0_i32, %c0_i32_0 : i32, i32
  }
  func.func @transform_2(%arg0: i32) -> (i32, i32) {
    %c0_i32 = arith.constant 0 : i32
    %c0_i32_0 = arith.constant 0 : i32
    return %arg0, %c0_i32 : i32, i32
  }
  func.func @transform_3(%arg0: i32) -> (i32, i32) {
    %c0_i32 = arith.constant 0 : i32
    %c0_i32_0 = arith.constant 0 : i32
    %c0_i32_1 = arith.constant 0 : i32
    return %c0_i32, %c0_i32_0 : i32, i32
  }
  func.func @transform_4(%arg0: i32) -> (i32, i32) {
    %c0_i32 = arith.constant 0 : i32
    %c0_i32_0 = arith.constant 0 : i32
    return %arg0, %c0_i32 : i32, i32
  }
}

module attributes {stable_mosaic.version = 14 : i64} {
  func.func @_stats_kernel(%arg0: i32, %arg1: memref<128x128xf32, #tpu.memory_space<vmem>>, %arg2: memref<128x16xi32, #tpu.memory_space<vmem>>, %arg3: memref<128x1xi32, #tpu.memory_space<vmem>>, %arg4: memref<128x1xf32, #tpu.memory_space<vmem>>, %arg5: memref<32x5120xf32, #tpu.memory_space<vmem>>, %arg6: memref<128x5120xbf16, #tpu.memory_space<vmem>>) attributes {dimension_semantics = [#tpu.dimension_semantics<arbitrary>], iteration_bounds = array<i64: 32>, scalar_prefetch = 0 : i64, scratch_operands = 0 : i64, tpu.core_type = #tpu.core_type<tc>, window_params = [{transform_indices = @transform_0, window_bounds = array<i64: 128, 128>}, {transform_indices = @transform_1, window_bounds = array<i64: 128, 16>}, {transform_indices = @transform_2, window_bounds = array<i64: 128, 1>}, {transform_indices = @transform_3, window_bounds = array<i64: 128, 1>}, {pipeline_mode = #tpu.pipeline_mode<synchronous>, transform_indices = @transform_4, window_bounds = array<i64: 32, 5120>}, {transform_indices = @transform_5, window_bounds = array<i64: 128, 5120>}]} {
    %get3A = arith.constant 0 : index
    %get3A_0 = arith.constant 0 : index
    %get3A_1 = vector.load %arg1[%get3A, %get3A_0] : memref<128x128xf32, #tpu.memory_space<vmem>>, vector<128x128xf32>
    %get3A_2 = arith.constant 0 : index
    %get3A_3 = arith.constant 0 : index
    %get3A_4 = vector.load %arg2[%get3A_2, %get3A_3] : memref<128x16xi32, #tpu.memory_space<vmem>>, vector<128x16xi32>
    %get3A_5 = arith.constant 0 : index
    %get3A_6 = arith.constant 0 : index
    %get3A_7 = vector.load %arg3[%get3A_5, %get3A_6] : memref<128x1xi32, #tpu.memory_space<vmem>>, vector<128x1xi32>
    %iota3A = tpu.iota {dimensions = array<i32: 1>} : vector<128x128xi32>
    %broadcast_in_dim3A = arith.constant 0.000000e+00 : f32
    %broadcast_in_dim3A_8 = vector.broadcast %broadcast_in_dim3A : f32 to vector<128x1xf32>
    %slice3A = vector.extract_strided_slice %get3A_4 {offsets = [0, 0], sizes = [128, 1], strides = [1, 1]} : vector<128x16xi32> to vector<128x1xi32>
    %eq3A = vector.broadcast %slice3A : vector<128x1xi32> to vector<128x128xi32>
    %eq3A_9 = arith.cmpi eq, %iota3A, %eq3A : vector<128x128xi32>
    %jit3A = arith.constant 0.000000e+00 : f32
    %broadcast_in_dim3A_10 = vector.broadcast %jit3A : f32 to vector<128x128xf32>
    %select_n3A = arith.select %eq3A_9, %get3A_1, %broadcast_in_dim3A_10 : vector<128x128xi1>, vector<128x128xf32>
    %reduce_sum3A = arith.constant dense<0.000000e+00> : vector<128xf32>
    %reduce_sum3A_11 = vector.multi_reduction <add>, %select_n3A, %reduce_sum3A [1] : vector<128x128xf32> to vector<128xf32>
    %broadcast_in_dim3A_12 = vector.shape_cast %reduce_sum3A_11 : vector<128xf32> to vector<128x1xf32>
    %add3A = arith.addf %broadcast_in_dim3A_8, %broadcast_in_dim3A_12 : vector<128x1xf32>
    %slice3A_13 = vector.extract_strided_slice %get3A_4 {offsets = [0, 1], sizes = [128, 1], strides = [1, 1]} : vector<128x16xi32> to vector<128x1xi32>
    %eq3A_14 = vector.broadcast %slice3A_13 : vector<128x1xi32> to vector<128x128xi32>
    %eq3A_15 = arith.cmpi eq, %iota3A, %eq3A_14 : vector<128x128xi32>
    %jit3A_16 = arith.constant 0.000000e+00 : f32
    %broadcast_in_dim3A_17 = vector.broadcast %jit3A_16 : f32 to vector<128x128xf32>
    %select_n3A_18 = arith.select %eq3A_15, %get3A_1, %broadcast_in_dim3A_17 : vector<128x128xi1>, vector<128x128xf32>
    %reduce_sum3A_19 = arith.constant dense<0.000000e+00> : vector<128xf32>
    %reduce_sum3A_20 = vector.multi_reduction <add>, %select_n3A_18, %reduce_sum3A_19 [1] : vector<128x128xf32> to vector<128xf32>
    %broadcast_in_dim3A_21 = vector.shape_cast %reduce_sum3A_20 : vector<128xf32> to vector<128x1xf32>
    %add3A_22 = arith.addf %add3A, %broadcast_in_dim3A_21 : vector<128x1xf32>
    %slice3A_23 = vector.extract_strided_slice %get3A_4 {offsets = [0, 2], sizes = [128, 1], strides = [1, 1]} : vector<128x16xi32> to vector<128x1xi32>
    %eq3A_24 = vector.broadcast %slice3A_23 : vector<128x1xi32> to vector<128x128xi32>
    %eq3A_25 = arith.cmpi eq, %iota3A, %eq3A_24 : vector<128x128xi32>
    %jit3A_26 = arith.constant 0.000000e+00 : f32
    %broadcast_in_dim3A_27 = vector.broadcast %jit3A_26 : f32 to vector<128x128xf32>
    %select_n3A_28 = arith.select %eq3A_25, %get3A_1, %broadcast_in_dim3A_27 : vector<128x128xi1>, vector<128x128xf32>
    %reduce_sum3A_29 = arith.constant dense<0.000000e+00> : vector<128xf32>
    %reduce_sum3A_30 = vector.multi_reduction <add>, %select_n3A_28, %reduce_sum3A_29 [1] : vector<128x128xf32> to vector<128xf32>
    %broadcast_in_dim3A_31 = vector.shape_cast %reduce_sum3A_30 : vector<128xf32> to vector<128x1xf32>
    %add3A_32 = arith.addf %add3A_22, %broadcast_in_dim3A_31 : vector<128x1xf32>
    %slice3A_33 = vector.extract_strided_slice %get3A_4 {offsets = [0, 3], sizes = [128, 1], strides = [1, 1]} : vector<128x16xi32> to vector<128x1xi32>
    %eq3A_34 = vector.broadcast %slice3A_33 : vector<128x1xi32> to vector<128x128xi32>
    %eq3A_35 = arith.cmpi eq, %iota3A, %eq3A_34 : vector<128x128xi32>
    %jit3A_36 = arith.constant 0.000000e+00 : f32
    %broadcast_in_dim3A_37 = vector.broadcast %jit3A_36 : f32 to vector<128x128xf32>
    %select_n3A_38 = arith.select %eq3A_35, %get3A_1, %broadcast_in_dim3A_37 : vector<128x128xi1>, vector<128x128xf32>
    %reduce_sum3A_39 = arith.constant dense<0.000000e+00> : vector<128xf32>
    %reduce_sum3A_40 = vector.multi_reduction <add>, %select_n3A_38, %reduce_sum3A_39 [1] : vector<128x128xf32> to vector<128xf32>
    %broadcast_in_dim3A_41 = vector.shape_cast %reduce_sum3A_40 : vector<128xf32> to vector<128x1xf32>
    %add3A_42 = arith.addf %add3A_32, %broadcast_in_dim3A_41 : vector<128x1xf32>
    %slice3A_43 = vector.extract_strided_slice %get3A_4 {offsets = [0, 4], sizes = [128, 1], strides = [1, 1]} : vector<128x16xi32> to vector<128x1xi32>
    %eq3A_44 = vector.broadcast %slice3A_43 : vector<128x1xi32> to vector<128x128xi32>
    %eq3A_45 = arith.cmpi eq, %iota3A, %eq3A_44 : vector<128x128xi32>
    %jit3A_46 = arith.constant 0.000000e+00 : f32
    %broadcast_in_dim3A_47 = vector.broadcast %jit3A_46 : f32 to vector<128x128xf32>
    %select_n3A_48 = arith.select %eq3A_45, %get3A_1, %broadcast_in_dim3A_47 : vector<128x128xi1>, vector<128x128xf32>
    %reduce_sum3A_49 = arith.constant dense<0.000000e+00> : vector<128xf32>
    %reduce_sum3A_50 = vector.multi_reduction <add>, %select_n3A_48, %reduce_sum3A_49 [1] : vector<128x128xf32> to vector<128xf32>
    %broadcast_in_dim3A_51 = vector.shape_cast %reduce_sum3A_50 : vector<128xf32> to vector<128x1xf32>
    %add3A_52 = arith.addf %add3A_42, %broadcast_in_dim3A_51 : vector<128x1xf32>
    %swap3A = arith.constant 0 : index
    %swap3A_53 = arith.constant 0 : index
    %swap3A_54 = vector.load %arg4[%swap3A, %swap3A_53] : memref<128x1xf32, #tpu.memory_space<vmem>>, vector<128x1xf32>
    tpu.vector_store %arg4[%swap3A, %swap3A_53], %add3A_52 {strides = array<i32>} : memref<128x1xf32, #tpu.memory_space<vmem>>, vector<128x1xf32>,
    %max3A = arith.constant 9.99999996E-13 : f32
    %max3A_55 = vector.broadcast %max3A : f32 to vector<128x1xf32>
    %max3A_56 = arith.maximumf %add3A_52, %max3A_55 : vector<128x1xf32>
    %div3A = arith.constant 1.000000e+00 : f32
    %div3A_57 = vector.broadcast %div3A : f32 to vector<128x1xf32>
    %div3A_58 = arith.divf %div3A_57, %max3A_56 : vector<128x1xf32>
    %iota3A_59 = tpu.iota {dimensions = array<i32: 1>} : vector<128x5120xi32>
    %broadcast_in_dim3A_60 = arith.constant 0.000000e+00 : f32
    %broadcast_in_dim3A_61 = vector.broadcast %broadcast_in_dim3A_60 : f32 to vector<128x5120xf32>
    %broadcast_in_dim3A_62 = arith.constant 0.000000e+00 : f32
    %broadcast_in_dim3A_63 = vector.broadcast %broadcast_in_dim3A_62 : f32 to vector<128x5120xf32>
    %slice3A_64 = vector.extract_strided_slice %get3A_4 {offsets = [0, 0], sizes = [128, 1], strides = [1, 1]} : vector<128x16xi32> to vector<128x1xi32>
    %mul3A = arith.constant 50 : i32
    %mul3A_65 = vector.broadcast %mul3A : i32 to vector<128x1xi32>
    %mul3A_66 = arith.muli %mul3A_65, %slice3A_64 : vector<128x1xi32>
    %add3A_67 = arith.addi %get3A_7, %mul3A_66 : vector<128x1xi32>
    %eq3A_68 = vector.broadcast %add3A_67 : vector<128x1xi32> to vector<128x5120xi32>
    %eq3A_69 = arith.cmpi eq, %iota3A_59, %eq3A_68 : vector<128x5120xi32>
    %convert_element_type3A = arith.extui %eq3A_69 : vector<128x5120xi1> to vector<128x5120xi32>
    %convert_element_type3A_70 = arith.sitofp %convert_element_type3A : vector<128x5120xi32> to vector<128x5120xf32>
    %add3A_71 = arith.addf %broadcast_in_dim3A_63, %convert_element_type3A_70 : vector<128x5120xf32>
    %mul3A_72 = arith.mulf %broadcast_in_dim3A_12, %div3A_58 : vector<128x1xf32>
    %mul3A_73 = vector.broadcast %mul3A_72 : vector<128x1xf32> to vector<128x5120xf32>
    %mul3A_74 = arith.mulf %convert_element_type3A_70, %mul3A_73 : vector<128x5120xf32>
    %add3A_75 = arith.addf %broadcast_in_dim3A_61, %mul3A_74 : vector<128x5120xf32>
    %slice3A_76 = vector.extract_strided_slice %get3A_4 {offsets = [0, 1], sizes = [128, 1], strides = [1, 1]} : vector<128x16xi32> to vector<128x1xi32>
    %mul3A_77 = arith.constant 50 : i32
    %mul3A_78 = vector.broadcast %mul3A_77 : i32 to vector<128x1xi32>
    %mul3A_79 = arith.muli %mul3A_78, %slice3A_76 : vector<128x1xi32>
    %add3A_80 = arith.addi %get3A_7, %mul3A_79 : vector<128x1xi32>
    %eq3A_81 = vector.broadcast %add3A_80 : vector<128x1xi32> to vector<128x5120xi32>
    %eq3A_82 = arith.cmpi eq, %iota3A_59, %eq3A_81 : vector<128x5120xi32>
    %convert_element_type3A_83 = arith.extui %eq3A_82 : vector<128x5120xi1> to vector<128x5120xi32>
    %convert_element_type3A_84 = arith.sitofp %convert_element_type3A_83 : vector<128x5120xi32> to vector<128x5120xf32>
    %add3A_85 = arith.addf %add3A_71, %convert_element_type3A_84 : vector<128x5120xf32>
    %mul3A_86 = arith.mulf %broadcast_in_dim3A_21, %div3A_58 : vector<128x1xf32>
    %mul3A_87 = vector.broadcast %mul3A_86 : vector<128x1xf32> to vector<128x5120xf32>
    %mul3A_88 = arith.mulf %convert_element_type3A_84, %mul3A_87 : vector<128x5120xf32>
    %add3A_89 = arith.addf %add3A_75, %mul3A_88 : vector<128x5120xf32>
    %slice3A_90 = vector.extract_strided_slice %get3A_4 {offsets = [0, 2], sizes = [128, 1], strides = [1, 1]} : vector<128x16xi32> to vector<128x1xi32>
    %mul3A_91 = arith.constant 50 : i32
    %mul3A_92 = vector.broadcast %mul3A_91 : i32 to vector<128x1xi32>
    %mul3A_93 = arith.muli %mul3A_92, %slice3A_90 : vector<128x1xi32>
    %add3A_94 = arith.addi %get3A_7, %mul3A_93 : vector<128x1xi32>
    %eq3A_95 = vector.broadcast %add3A_94 : vector<128x1xi32> to vector<128x5120xi32>
    %eq3A_96 = arith.cmpi eq, %iota3A_59, %eq3A_95 : vector<128x5120xi32>
    %convert_element_type3A_97 = arith.extui %eq3A_96 : vector<128x5120xi1> to vector<128x5120xi32>
    %convert_element_type3A_98 = arith.sitofp %convert_element_type3A_97 : vector<128x5120xi32> to vector<128x5120xf32>
    %add3A_99 = arith.addf %add3A_85, %convert_element_type3A_98 : vector<128x5120xf32>
    %mul3A_100 = arith.mulf %broadcast_in_dim3A_31, %div3A_58 : vector<128x1xf32>
    %mul3A_101 = vector.broadcast %mul3A_100 : vector<128x1xf32> to vector<128x5120xf32>
    %mul3A_102 = arith.mulf %convert_element_type3A_98, %mul3A_101 : vector<128x5120xf32>
    %add3A_103 = arith.addf %add3A_89, %mul3A_102 : vector<128x5120xf32>
    %slice3A_104 = vector.extract_strided_slice %get3A_4 {offsets = [0, 3], sizes = [128, 1], strides = [1, 1]} : vector<128x16xi32> to vector<128x1xi32>
    %mul3A_105 = arith.constant 50 : i32
    %mul3A_106 = vector.broadcast %mul3A_105 : i32 to vector<128x1xi32>
    %mul3A_107 = arith.muli %mul3A_106, %slice3A_104 : vector<128x1xi32>
    %add3A_108 = arith.addi %get3A_7, %mul3A_107 : vector<128x1xi32>
    %eq3A_109 = vector.broadcast %add3A_108 : vector<128x1xi32> to vector<128x5120xi32>
    %eq3A_110 = arith.cmpi eq, %iota3A_59, %eq3A_109 : vector<128x5120xi32>
    %convert_element_type3A_111 = arith.extui %eq3A_110 : vector<128x5120xi1> to vector<128x5120xi32>
    %convert_element_type3A_112 = arith.sitofp %convert_element_type3A_111 : vector<128x5120xi32> to vector<128x5120xf32>
    %add3A_113 = arith.addf %add3A_99, %convert_element_type3A_112 : vector<128x5120xf32>
    %mul3A_114 = arith.mulf %broadcast_in_dim3A_41, %div3A_58 : vector<128x1xf32>
    %mul3A_115 = vector.broadcast %mul3A_114 : vector<128x1xf32> to vector<128x5120xf32>
    %mul3A_116 = arith.mulf %convert_element_type3A_112, %mul3A_115 : vector<128x5120xf32>
    %add3A_117 = arith.addf %add3A_103, %mul3A_116 : vector<128x5120xf32>
    %slice3A_118 = vector.extract_strided_slice %get3A_4 {offsets = [0, 4], sizes = [128, 1], strides = [1, 1]} : vector<128x16xi32> to vector<128x1xi32>
    %mul3A_119 = arith.constant 50 : i32
    %mul3A_120 = vector.broadcast %mul3A_119 : i32 to vector<128x1xi32>
    %mul3A_121 = arith.muli %mul3A_120, %slice3A_118 : vector<128x1xi32>
    %add3A_122 = arith.addi %get3A_7, %mul3A_121 : vector<128x1xi32>
    %eq3A_123 = vector.broadcast %add3A_122 : vector<128x1xi32> to vector<128x5120xi32>
    %eq3A_124 = arith.cmpi eq, %iota3A_59, %eq3A_123 : vector<128x5120xi32>
    %convert_element_type3A_125 = arith.extui %eq3A_124 : vector<128x5120xi1> to vector<128x5120xi32>
    %convert_element_type3A_126 = arith.sitofp %convert_element_type3A_125 : vector<128x5120xi32> to vector<128x5120xf32>
    %add3A_127 = arith.addf %add3A_113, %convert_element_type3A_126 : vector<128x5120xf32>
    %mul3A_128 = arith.mulf %broadcast_in_dim3A_51, %div3A_58 : vector<128x1xf32>
    %mul3A_129 = vector.broadcast %mul3A_128 : vector<128x1xf32> to vector<128x5120xf32>
    %mul3A_130 = arith.mulf %convert_element_type3A_126, %mul3A_129 : vector<128x5120xf32>
    %add3A_131 = arith.addf %add3A_117, %mul3A_130 : vector<128x5120xf32>
    %convert_element_type3A_132 = arith.truncf %add3A_127 : vector<128x5120xf32> to vector<128x5120xbf16>
    %swap3A_133 = arith.constant 0 : index
    %swap3A_134 = arith.constant 0 : index
    %swap3A_135 = vector.load %arg6[%swap3A_133, %swap3A_134] : memref<128x5120xbf16, #tpu.memory_space<vmem>>, vector<128x5120xbf16>
    tpu.vector_store %arg6[%swap3A_133, %swap3A_134], %convert_element_type3A_132 {strides = array<i32>} : memref<128x5120xbf16, #tpu.memory_space<vmem>>, vector<128x5120xbf16>,
    %reduce_sum3A_136 = arith.constant dense<0.000000e+00> : vector<5120xf32>
    %reduce_sum3A_137 = vector.multi_reduction <add>, %add3A_131, %reduce_sum3A_136 [0] : vector<128x5120xf32> to vector<5120xf32>
    %broadcast_in_dim3A_138 = vector.shape_cast %reduce_sum3A_137 : vector<5120xf32> to vector<1x5120xf32>
    %swap3A_139 = arith.index_cast %arg0 : i32 to index
    %swap3A_140 = arith.constant 0 : index
    %swap3A_141 = vector.load %arg5[%swap3A_139, %swap3A_140] : memref<32x5120xf32, #tpu.memory_space<vmem>>, vector<1x5120xf32>
    tpu.vector_store %arg5[%swap3A_139, %swap3A_140], %broadcast_in_dim3A_138 {strides = array<i32>} : memref<32x5120xf32, #tpu.memory_space<vmem>>, vector<1x5120xf32>,
    return
  }
  func.func @transform_0(%arg0: i32) -> (i32, i32) {
    %c0_i32 = arith.constant 0 : i32
    %c0_i32_0 = arith.constant 0 : i32
    return %arg0, %c0_i32 : i32, i32
  }
  func.func @transform_1(%arg0: i32) -> (i32, i32) {
    %c0_i32 = arith.constant 0 : i32
    %c0_i32_0 = arith.constant 0 : i32
    return %arg0, %c0_i32 : i32, i32
  }
  func.func @transform_2(%arg0: i32) -> (i32, i32) {
    %c0_i32 = arith.constant 0 : i32
    %c0_i32_0 = arith.constant 0 : i32
    return %arg0, %c0_i32 : i32, i32
  }
  func.func @transform_3(%arg0: i32) -> (i32, i32) {
    %c0_i32 = arith.constant 0 : i32
    %c0_i32_0 = arith.constant 0 : i32
    return %arg0, %c0_i32 : i32, i32
  }
  func.func @transform_4(%arg0: i32) -> (i32, i32) {
    %c0_i32 = arith.constant 0 : i32
    %c0_i32_0 = arith.constant 0 : i32
    %c0_i32_1 = arith.constant 0 : i32
    return %c0_i32, %c0_i32_0 : i32, i32
  }
  func.func @transform_5(%arg0: i32) -> (i32, i32) {
    %c0_i32 = arith.constant 0 : i32
    %c0_i32_0 = arith.constant 0 : i32
    return %arg0, %c0_i32 : i32, i32
  }
}

module attributes {stable_mosaic.version = 14 : i64} {
  func.func @_update_kernel(%arg0: i32, %arg1: i32, %arg2: memref<512x512xbf16, #tpu.memory_space<vmem>>, %arg3: memref<512x512xbf16, #tpu.memory_space<vmem>>, %arg4: memref<1x512xf32, #tpu.memory_space<vmem>>, %arg5: memref<512x512xf32, #tpu.memory_space<vmem>>, %arg6: memref<512x512xf32, #tpu.memory_space<vmem>>, %arg7: memref<512x1xf32, #tpu.memory_space<vmem>>, %arg8: memref<512x512xf32, #tpu.memory_space<vmem>>) attributes {dimension_semantics = [#tpu.dimension_semantics<arbitrary>, #tpu.dimension_semantics<arbitrary>], iteration_bounds = array<i64: 10, 8>, scalar_prefetch = 0 : i64, scratch_operands = 0 : i64, tpu.core_type = #tpu.core_type<tc>, window_params = [{transform_indices = @transform_0, window_bounds = array<i64: 512, 512>}, {transform_indices = @transform_1, window_bounds = array<i64: 512, 512>}, {transform_indices = @transform_2, window_bounds = array<i64: 1, 512>}, {transform_indices = @transform_3, window_bounds = array<i64: 512, 512>}, {transform_indices = @transform_4, window_bounds = array<i64: 512, 512>}, {transform_indices = @transform_5, window_bounds = array<i64: 512, 1>}, {transform_indices = @transform_6, window_bounds = array<i64: 512, 512>}]} {
    %get3A = arith.constant 0 : index
    %get3A_0 = arith.constant 0 : index
    %get3A_1 = vector.load %arg2[%get3A, %get3A_0] : memref<512x512xbf16, #tpu.memory_space<vmem>>, vector<512x512xbf16>
    %convert_element_type3A = arith.extf %get3A_1 : vector<512x512xbf16> to vector<512x512xf32>
    %get3A_2 = arith.constant 0 : index
    %get3A_3 = arith.constant 0 : index
    %get3A_4 = vector.load %arg3[%get3A_2, %get3A_3] : memref<512x512xbf16, #tpu.memory_space<vmem>>, vector<512x512xbf16>
    %convert_element_type3A_5 = arith.extf %get3A_4 : vector<512x512xbf16> to vector<512x512xf32>
    %mul3A = arith.mulf %convert_element_type3A, %convert_element_type3A_5 : vector<512x512xf32>
    %get3A_6 = arith.constant 0 : index
    %get3A_7 = arith.constant 0 : index
    %get3A_8 = vector.load %arg4[%get3A_6, %get3A_7] : memref<1x512xf32, #tpu.memory_space<vmem>>, vector<1x512xf32>
    %mul3A_9 = vector.broadcast %get3A_8 : vector<1x512xf32> to vector<512x512xf32>
    %mul3A_10 = arith.mulf %mul3A, %mul3A_9 : vector<512x512xf32>
    %get3A_11 = arith.constant 0 : index
    %get3A_12 = arith.constant 0 : index
    %get3A_13 = vector.load %arg5[%get3A_11, %get3A_12] : memref<512x512xf32, #tpu.memory_space<vmem>>, vector<512x512xf32>
    %dot_general3A = arith.constant dense<0.000000e+00> : vector<512x512xf32>
    %dot_general3A_14 = tpu.matmul %mul3A_10, %get3A_13, %dot_general3A {dimension_numbers = #tpu.dot_dimension_numbers<[0], [0], [1], [1], [0, 1, 1, 1], [], []>, transpose_lhs_hint = false} : vector<512x512xf32>, vector<512x512xf32>, vector<512x512xf32> -> vector<512x512xf32>
    %eq3A = arith.constant 0 : i32
    %eq3A_15 = arith.cmpi eq, %arg1, %eq3A : i32
    %convert_element_type3A_16 = arith.extui %eq3A_15 : i1 to i32
    %cond3A = arith.constant 0 : i32
    %cond3A_17 = arith.cmpi ne, %convert_element_type3A_16, %cond3A : i32
    scf.if %cond3A_17 {
      %broadcast_in_dim3A = arith.constant 0.000000e+00 : f32
      %broadcast_in_dim3A_28 = vector.broadcast %broadcast_in_dim3A : f32 to vector<512x512xf32>
      %swap3A_29 = arith.constant 0 : index
      %swap3A_30 = arith.constant 0 : index
      %swap3A_31 = vector.load %arg8[%swap3A_29, %swap3A_30] : memref<512x512xf32, #tpu.memory_space<vmem>>, vector<512x512xf32>
      tpu.vector_store %arg8[%swap3A_29, %swap3A_30], %broadcast_in_dim3A_28 {strides = array<i32>} : memref<512x512xf32, #tpu.memory_space<vmem>>, vector<512x512xf32>,
    } else {
    }
    %get3A_18 = arith.constant 0 : index
    %get3A_19 = arith.constant 0 : index
    %get3A_20 = vector.load %arg8[%get3A_18, %get3A_19] : memref<512x512xf32, #tpu.memory_space<vmem>>, vector<512x512xf32>
    %add3A = arith.addf %get3A_20, %dot_general3A_14 : vector<512x512xf32>
    %swap3A = arith.constant 0 : index
    %swap3A_21 = arith.constant 0 : index
    %swap3A_22 = vector.load %arg8[%swap3A, %swap3A_21] : memref<512x512xf32, #tpu.memory_space<vmem>>, vector<512x512xf32>
    tpu.vector_store %arg8[%swap3A, %swap3A_21], %add3A {strides = array<i32>} : memref<512x512xf32, #tpu.memory_space<vmem>>, vector<512x512xf32>,
    %eq3A_23 = arith.constant 7 : i32
    %eq3A_24 = arith.cmpi eq, %arg1, %eq3A_23 : i32
    %convert_element_type3A_25 = arith.extui %eq3A_24 : i1 to i32
    %cond3A_26 = arith.constant 0 : i32
    %cond3A_27 = arith.cmpi ne, %convert_element_type3A_25, %cond3A_26 : i32
    scf.if %cond3A_27 {
      %get3A_28 = arith.constant 0 : index
      %get3A_29 = arith.constant 0 : index
      %get3A_30 = vector.load %arg8[%get3A_28, %get3A_29] : memref<512x512xf32, #tpu.memory_space<vmem>>, vector<512x512xf32>
      %get3A_31 = arith.constant 0 : index
      %get3A_32 = arith.constant 0 : index
      %get3A_33 = vector.load %arg7[%get3A_31, %get3A_32] : memref<512x1xf32, #tpu.memory_space<vmem>>, vector<512x1xf32>
      %max3A = arith.constant 9.99999996E-13 : f32
      %max3A_34 = vector.broadcast %max3A : f32 to vector<512x1xf32>
      %max3A_35 = arith.maximumf %get3A_33, %max3A_34 : vector<512x1xf32>
      %div3A = vector.broadcast %max3A_35 : vector<512x1xf32> to vector<512x512xf32>
      %div3A_36 = arith.divf %get3A_30, %div3A : vector<512x512xf32>
      %get3A_37 = arith.constant 0 : index
      %get3A_38 = arith.constant 0 : index
      %get3A_39 = vector.load %arg6[%get3A_37, %get3A_38] : memref<512x512xf32, #tpu.memory_space<vmem>>, vector<512x512xf32>
      %mul3A_40 = arith.constant 9.900000e-01 : f32
      %mul3A_41 = vector.broadcast %mul3A_40 : f32 to vector<512x512xf32>
      %mul3A_42 = arith.mulf %mul3A_41, %get3A_39 : vector<512x512xf32>
      %mul3A_43 = arith.constant 0.00999999977 : f32
      %mul3A_44 = vector.broadcast %mul3A_43 : f32 to vector<512x512xf32>
      %mul3A_45 = arith.mulf %mul3A_44, %div3A_36 : vector<512x512xf32>
      %add3A_46 = arith.addf %mul3A_42, %mul3A_45 : vector<512x512xf32>
      %mul3A_47 = arith.mulf %add3A_46, %add3A_46 : vector<512x512xf32>
      %reduce_sum3A = arith.constant dense<0.000000e+00> : vector<512xf32>
      %reduce_sum3A_48 = vector.multi_reduction <add>, %mul3A_47, %reduce_sum3A [1] : vector<512x512xf32> to vector<512xf32>
      %broadcast_in_dim3A = vector.shape_cast %reduce_sum3A_48 : vector<512xf32> to vector<512x1xf32>
      %sqrt3A = math.sqrt %broadcast_in_dim3A : vector<512x1xf32>
      %max3A_49 = arith.constant 9.99999996E-13 : f32
      %max3A_50 = vector.broadcast %max3A_49 : f32 to vector<512x1xf32>
      %max3A_51 = arith.maximumf %sqrt3A, %max3A_50 : vector<512x1xf32>
      %div3A_52 = vector.broadcast %max3A_51 : vector<512x1xf32> to vector<512x512xf32>
      %div3A_53 = arith.divf %add3A_46, %div3A_52 : vector<512x512xf32>
      %swap3A_54 = arith.constant 0 : index
      %swap3A_55 = arith.constant 0 : index
      %swap3A_56 = vector.load %arg8[%swap3A_54, %swap3A_55] : memref<512x512xf32, #tpu.memory_space<vmem>>, vector<512x512xf32>
      tpu.vector_store %arg8[%swap3A_54, %swap3A_55], %div3A_53 {strides = array<i32>} : memref<512x512xf32, #tpu.memory_space<vmem>>, vector<512x512xf32>,
    } else {
    }
    return
  }
  func.func @transform_0(%arg0: i32, %arg1: i32) -> (i32, i32) {
    %c0_i32 = arith.constant 0 : i32
    return %arg1, %arg0 : i32, i32
  }
  func.func @transform_1(%arg0: i32, %arg1: i32) -> (i32, i32) {
    %c0_i32 = arith.constant 0 : i32
    return %arg1, %arg0 : i32, i32
  }
  func.func @transform_2(%arg0: i32, %arg1: i32) -> (i32, i32) {
    %c0_i32 = arith.constant 0 : i32
    %c0_i32_0 = arith.constant 0 : i32
    return %c0_i32, %arg0 : i32, i32
  }
  func.func @transform_3(%arg0: i32, %arg1: i32) -> (i32, i32) {
    %c0_i32 = arith.constant 0 : i32
    %c0_i32_0 = arith.constant 0 : i32
    return %arg1, %c0_i32 : i32, i32
  }
  func.func @transform_4(%arg0: i32, %arg1: i32) -> (i32, i32) {
    %c0_i32 = arith.constant 0 : i32
    %c0_i32_0 = arith.constant 0 : i32
    return %arg0, %c0_i32 : i32, i32
  }
  func.func @transform_5(%arg0: i32, %arg1: i32) -> (i32, i32) {
    %c0_i32 = arith.constant 0 : i32
    %c0_i32_0 = arith.constant 0 : i32
    return %arg0, %c0_i32 : i32, i32
  }
  func.func @transform_6(%arg0: i32, %arg1: i32) -> (i32, i32) {
    %c0_i32 = arith.constant 0 : i32
    %c0_i32_0 = arith.constant 0 : i32
    return %arg0, %c0_i32 : i32, i32
  }
}

module attributes {stable_mosaic.version = 14 : i64} {
  func.func @_pcon_kernel(%arg0: i32, %arg1: i32, %arg2: memref<512x512xf32, #tpu.memory_space<vmem>>, %arg3: memref<512x512xf32, #tpu.memory_space<vmem>>, %arg4: memref<512x1xf32, #tpu.memory_space<vmem>>, %arg5: memref<1x512xf32, #tpu.memory_space<vmem>>, %arg6: memref<512x1xf32, #tpu.memory_space<vmem>>, %arg7: memref<512x1xf32, #tpu.memory_space<vmem>>) attributes {dimension_semantics = [#tpu.dimension_semantics<arbitrary>, #tpu.dimension_semantics<arbitrary>], iteration_bounds = array<i64: 10, 10>, scalar_prefetch = 0 : i64, scratch_operands = 0 : i64, tpu.core_type = #tpu.core_type<tc>, window_params = [{transform_indices = @transform_0, window_bounds = array<i64: 512, 512>}, {transform_indices = @transform_1, window_bounds = array<i64: 512, 512>}, {transform_indices = @transform_2, window_bounds = array<i64: 512, 1>}, {transform_indices = @transform_3, window_bounds = array<i64: 1, 512>}, {transform_indices = @transform_4, window_bounds = array<i64: 512, 1>}, {transform_indices = @transform_5, window_bounds = array<i64: 512, 1>}]} {
    %get3A = arith.constant 0 : index
    %get3A_0 = arith.constant 0 : index
    %get3A_1 = vector.load %arg2[%get3A, %get3A_0] : memref<512x512xf32, #tpu.memory_space<vmem>>, vector<512x512xf32>
    %get3A_2 = arith.constant 0 : index
    %get3A_3 = arith.constant 0 : index
    %get3A_4 = vector.load %arg3[%get3A_2, %get3A_3] : memref<512x512xf32, #tpu.memory_space<vmem>>, vector<512x512xf32>
    %dot_general3A = arith.constant dense<0.000000e+00> : vector<512x512xf32>
    %dot_general3A_5 = tpu.matmul %get3A_1, %get3A_4, %dot_general3A {dimension_numbers = #tpu.dot_dimension_numbers<[1], [1], [0], [0], [0, 0, 1, 0], [], []>, transpose_lhs_hint = false} : vector<512x512xf32>, vector<512x512xf32>, vector<512x512xf32> -> vector<512x512xf32>
    %mul3A = arith.constant 2.000000e+00 : f32
    %mul3A_6 = vector.broadcast %mul3A : f32 to vector<512x512xf32>
    %mul3A_7 = arith.mulf %mul3A_6, %dot_general3A_5 : vector<512x512xf32>
    %mul3A_8 = arith.constant 512 : i32
    %mul3A_9 = arith.muli %arg0, %mul3A_8 : i32
    %iota3A = tpu.iota {dimensions = array<i32: 0>} : vector<512x512xi32>
    %add3A = vector.broadcast %mul3A_9 : i32 to vector<512x512xi32>
    %add3A_10 = arith.addi %add3A, %iota3A : vector<512x512xi32>
    %mul3A_11 = arith.constant 512 : i32
    %mul3A_12 = arith.muli %arg1, %mul3A_11 : i32
    %iota3A_13 = tpu.iota {dimensions = array<i32: 1>} : vector<512x512xi32>
    %add3A_14 = vector.broadcast %mul3A_12 : i32 to vector<512x512xi32>
    %add3A_15 = arith.addi %add3A_14, %iota3A_13 : vector<512x512xi32>
    %ne3A = arith.cmpi ne, %add3A_10, %add3A_15 : vector<512x512xi32>
    %lt3A = arith.constant 5000 : i32
    %lt3A_16 = vector.broadcast %lt3A : i32 to vector<512x512xi32>
    %lt3A_17 = arith.cmpi slt, %add3A_15, %lt3A_16 : vector<512x512xi32>
    %and3A = arith.andi %ne3A, %lt3A_17 : vector<512x512xi1>
    %get3A_18 = arith.constant 0 : index
    %get3A_19 = arith.constant 0 : index
    %get3A_20 = vector.load %arg4[%get3A_18, %get3A_19] : memref<512x1xf32, #tpu.memory_space<vmem>>, vector<512x1xf32>
    %get3A_21 = arith.constant 0 : index
    %get3A_22 = arith.constant 0 : index
    %get3A_23 = vector.load %arg5[%get3A_21, %get3A_22] : memref<1x512xf32, #tpu.memory_space<vmem>>, vector<1x512xf32>
    %eq3A = vector.broadcast %get3A_20 : vector<512x1xf32> to vector<512x512xf32>
    %eq3A_24 = vector.broadcast %get3A_23 : vector<1x512xf32> to vector<512x512xf32>
    %eq3A_25 = arith.cmpf oeq, %eq3A, %eq3A_24 : vector<512x512xf32>
    %and3A_26 = arith.andi %and3A, %eq3A_25 : vector<512x512xi1>
    %eq3A_27 = arith.constant 0 : i32
    %eq3A_28 = arith.cmpi eq, %arg1, %eq3A_27 : i32
    %convert_element_type3A = arith.extui %eq3A_28 : i1 to i32
    %cond3A = arith.constant 0 : i32
    %cond3A_29 = arith.cmpi ne, %convert_element_type3A, %cond3A : i32
    scf.if %cond3A_29 {
      %broadcast_in_dim3A_53 = arith.constant 0.000000e+00 : f32
      %broadcast_in_dim3A_54 = vector.broadcast %broadcast_in_dim3A_53 : f32 to vector<512x1xf32>
      %swap3A_55 = arith.constant 0 : index
      %swap3A_56 = arith.constant 0 : index
      %swap3A_57 = vector.load %arg6[%swap3A_55, %swap3A_56] : memref<512x1xf32, #tpu.memory_space<vmem>>, vector<512x1xf32>
      tpu.vector_store %arg6[%swap3A_55, %swap3A_56], %broadcast_in_dim3A_54 {strides = array<i32>} : memref<512x1xf32, #tpu.memory_space<vmem>>, vector<512x1xf32>,
      %broadcast_in_dim3A_58 = arith.constant 0.000000e+00 : f32
      %broadcast_in_dim3A_59 = vector.broadcast %broadcast_in_dim3A_58 : f32 to vector<512x1xf32>
      %swap3A_60 = arith.constant 0 : index
      %swap3A_61 = arith.constant 0 : index
      %swap3A_62 = vector.load %arg7[%swap3A_60, %swap3A_61] : memref<512x1xf32, #tpu.memory_space<vmem>>, vector<512x1xf32>
      tpu.vector_store %arg7[%swap3A_60, %swap3A_61], %broadcast_in_dim3A_59 {strides = array<i32>} : memref<512x1xf32, #tpu.memory_space<vmem>>, vector<512x1xf32>,
    } else {
    }
    %get3A_30 = arith.constant 0 : index
    %get3A_31 = arith.constant 0 : index
    %get3A_32 = vector.load %arg6[%get3A_30, %get3A_31] : memref<512x1xf32, #tpu.memory_space<vmem>>, vector<512x1xf32>
    %jit3A = arith.constant 0.000000e+00 : f32
    %broadcast_in_dim3A = vector.broadcast %jit3A : f32 to vector<512x512xf32>
    %select_n3A = arith.select %and3A_26, %mul3A_7, %broadcast_in_dim3A : vector<512x512xi1>, vector<512x512xf32>
    %reduce_sum3A = arith.constant dense<0.000000e+00> : vector<512xf32>
    %reduce_sum3A_33 = vector.multi_reduction <add>, %select_n3A, %reduce_sum3A [1] : vector<512x512xf32> to vector<512xf32>
    %broadcast_in_dim3A_34 = vector.shape_cast %reduce_sum3A_33 : vector<512xf32> to vector<512x1xf32>
    %add3A_35 = arith.addf %get3A_32, %broadcast_in_dim3A_34 : vector<512x1xf32>
    %swap3A = arith.constant 0 : index
    %swap3A_36 = arith.constant 0 : index
    %swap3A_37 = vector.load %arg6[%swap3A, %swap3A_36] : memref<512x1xf32, #tpu.memory_space<vmem>>, vector<512x1xf32>
    tpu.vector_store %arg6[%swap3A, %swap3A_36], %add3A_35 {strides = array<i32>} : memref<512x1xf32, #tpu.memory_space<vmem>>, vector<512x1xf32>,
    %get3A_38 = arith.constant 0 : index
    %get3A_39 = arith.constant 0 : index
    %get3A_40 = vector.load %arg7[%get3A_38, %get3A_39] : memref<512x1xf32, #tpu.memory_space<vmem>>, vector<512x1xf32>
    %sub3A = arith.constant 2.000000e+00 : f32
    %sub3A_41 = vector.broadcast %sub3A : f32 to vector<512x512xf32>
    %sub3A_42 = arith.subf %mul3A_7, %sub3A_41 : vector<512x512xf32>
    %exp3A = math.exp %sub3A_42 : vector<512x512xf32>
    %jit3A_43 = arith.constant 0.000000e+00 : f32
    %broadcast_in_dim3A_44 = vector.broadcast %jit3A_43 : f32 to vector<512x512xf32>
    %select_n3A_45 = arith.select %and3A, %exp3A, %broadcast_in_dim3A_44 : vector<512x512xi1>, vector<512x512xf32>
    %reduce_sum3A_46 = arith.constant dense<0.000000e+00> : vector<512xf32>
    %reduce_sum3A_47 = vector.multi_reduction <add>, %select_n3A_45, %reduce_sum3A_46 [1] : vector<512x512xf32> to vector<512xf32>
    %broadcast_in_dim3A_48 = vector.shape_cast %reduce_sum3A_47 : vector<512xf32> to vector<512x1xf32>
    %add3A_49 = arith.addf %get3A_40, %broadcast_in_dim3A_48 : vector<512x1xf32>
    %swap3A_50 = arith.constant 0 : index
    %swap3A_51 = arith.constant 0 : index
    %swap3A_52 = vector.load %arg7[%swap3A_50, %swap3A_51] : memref<512x1xf32, #tpu.memory_space<vmem>>, vector<512x1xf32>
    tpu.vector_store %arg7[%swap3A_50, %swap3A_51], %add3A_49 {strides = array<i32>} : memref<512x1xf32, #tpu.memory_space<vmem>>, vector<512x1xf32>,
    return
  }
  func.func @transform_0(%arg0: i32, %arg1: i32) -> (i32, i32) {
    %c0_i32 = arith.constant 0 : i32
    %c0_i32_0 = arith.constant 0 : i32
    return %arg0, %c0_i32 : i32, i32
  }
  func.func @transform_1(%arg0: i32, %arg1: i32) -> (i32, i32) {
    %c0_i32 = arith.constant 0 : i32
    %c0_i32_0 = arith.constant 0 : i32
    return %arg1, %c0_i32 : i32, i32
  }
  func.func @transform_2(%arg0: i32, %arg1: i32) -> (i32, i32) {
    %c0_i32 = arith.constant 0 : i32
    %c0_i32_0 = arith.constant 0 : i32
    return %arg0, %c0_i32 : i32, i32
  }
  func.func @transform_3(%arg0: i32, %arg1: i32) -> (i32, i32) {
    %c0_i32 = arith.constant 0 : i32
    %c0_i32_0 = arith.constant 0 : i32
    return %c0_i32, %arg1 : i32, i32
  }
  func.func @transform_4(%arg0: i32, %arg1: i32) -> (i32, i32) {
    %c0_i32 = arith.constant 0 : i32
    %c0_i32_0 = arith.constant 0 : i32
    return %arg0, %c0_i32 : i32, i32
  }
  func.func @transform_5(%arg0: i32, %arg1: i32) -> (i32, i32) {
    %c0_i32 = arith.constant 0 : i32
    %c0_i32_0 = arith.constant 0 : i32
    return %arg0, %c0_i32 : i32, i32
  }
}

module attributes {stable_mosaic.version = 14 : i64} {
  func.func @_pos_kernel(%arg0: i32, %arg1: i32, %arg2: memref<512x512xbf16, #tpu.memory_space<vmem>>, %arg3: memref<512x512xbf16, #tpu.memory_space<vmem>>, %arg4: memref<1x512xf32, #tpu.memory_space<vmem>>, %arg5: memref<512x1xf32, #tpu.memory_space<vmem>>, %arg6: memref<512x1xf32, #tpu.memory_space<vmem>>, %arg7: memref<512x1xf32, #tpu.memory_space<vmem>>) attributes {dimension_semantics = [#tpu.dimension_semantics<arbitrary>, #tpu.dimension_semantics<arbitrary>], iteration_bounds = array<i64: 8, 10>, scalar_prefetch = 0 : i64, scratch_operands = 0 : i64, tpu.core_type = #tpu.core_type<tc>, window_params = [{transform_indices = @transform_0, window_bounds = array<i64: 512, 512>}, {transform_indices = @transform_1, window_bounds = array<i64: 512, 512>}, {transform_indices = @transform_2, window_bounds = array<i64: 1, 512>}, {transform_indices = @transform_3, window_bounds = array<i64: 512, 1>}, {transform_indices = @transform_4, window_bounds = array<i64: 512, 1>}, {transform_indices = @transform_5, window_bounds = array<i64: 512, 1>}]} {
    %get3A = arith.constant 0 : index
    %get3A_0 = arith.constant 0 : index
    %get3A_1 = vector.load %arg2[%get3A, %get3A_0] : memref<512x512xbf16, #tpu.memory_space<vmem>>, vector<512x512xbf16>
    %convert_element_type3A = arith.extf %get3A_1 : vector<512x512xbf16> to vector<512x512xf32>
    %get3A_2 = arith.constant 0 : index
    %get3A_3 = arith.constant 0 : index
    %get3A_4 = vector.load %arg3[%get3A_2, %get3A_3] : memref<512x512xbf16, #tpu.memory_space<vmem>>, vector<512x512xbf16>
    %convert_element_type3A_5 = arith.extf %get3A_4 : vector<512x512xbf16> to vector<512x512xf32>
    %mul3A = arith.mulf %convert_element_type3A, %convert_element_type3A_5 : vector<512x512xf32>
    %get3A_6 = arith.constant 0 : index
    %get3A_7 = arith.constant 0 : index
    %get3A_8 = vector.load %arg4[%get3A_6, %get3A_7] : memref<1x512xf32, #tpu.memory_space<vmem>>, vector<1x512xf32>
    %mul3A_9 = vector.broadcast %get3A_8 : vector<1x512xf32> to vector<512x512xf32>
    %mul3A_10 = arith.mulf %mul3A, %mul3A_9 : vector<512x512xf32>
    %gt3A = arith.constant 0.000000e+00 : f32
    %gt3A_11 = vector.broadcast %gt3A : f32 to vector<512x512xf32>
    %gt3A_12 = arith.cmpf ogt, %convert_element_type3A, %gt3A_11 : vector<512x512xf32>
    %max3A = arith.constant 9.99999935E-39 : f32
    %max3A_13 = vector.broadcast %max3A : f32 to vector<512x512xf32>
    %max3A_14 = arith.maximumf %convert_element_type3A_5, %max3A_13 : vector<512x512xf32>
    %log3A = math.log %max3A_14 : vector<512x512xf32>
    %mul3A_15 = arith.constant 5.000000e-01 : f32
    %mul3A_16 = vector.broadcast %mul3A_15 : f32 to vector<512x512xf32>
    %mul3A_17 = arith.mulf %mul3A_16, %log3A : vector<512x512xf32>
    %jit3A = arith.constant 0.000000e+00 : f32
    %broadcast_in_dim3A = vector.broadcast %jit3A : f32 to vector<512x512xf32>
    %select_n3A = arith.select %gt3A_12, %mul3A_17, %broadcast_in_dim3A : vector<512x512xi1>, vector<512x512xf32>
    %mul3A_18 = arith.mulf %mul3A_10, %select_n3A : vector<512x512xf32>
    %eq3A = arith.constant 0 : i32
    %eq3A_19 = arith.cmpi eq, %arg1, %eq3A : i32
    %convert_element_type3A_20 = arith.extui %eq3A_19 : i1 to i32
    %cond3A = arith.constant 0 : i32
    %cond3A_21 = arith.cmpi ne, %convert_element_type3A_20, %cond3A : i32
    scf.if %cond3A_21 {
      %broadcast_in_dim3A_49 = arith.constant 0.000000e+00 : f32
      %broadcast_in_dim3A_50 = vector.broadcast %broadcast_in_dim3A_49 : f32 to vector<512x1xf32>
      %swap3A_51 = arith.constant 0 : index
      %swap3A_52 = arith.constant 0 : index
      %swap3A_53 = vector.load %arg5[%swap3A_51, %swap3A_52] : memref<512x1xf32, #tpu.memory_space<vmem>>, vector<512x1xf32>
      tpu.vector_store %arg5[%swap3A_51, %swap3A_52], %broadcast_in_dim3A_50 {strides = array<i32>} : memref<512x1xf32, #tpu.memory_space<vmem>>, vector<512x1xf32>,
      %broadcast_in_dim3A_54 = arith.constant 0.000000e+00 : f32
      %broadcast_in_dim3A_55 = vector.broadcast %broadcast_in_dim3A_54 : f32 to vector<512x1xf32>
      %swap3A_56 = arith.constant 0 : index
      %swap3A_57 = arith.constant 0 : index
      %swap3A_58 = vector.load %arg6[%swap3A_56, %swap3A_57] : memref<512x1xf32, #tpu.memory_space<vmem>>, vector<512x1xf32>
      tpu.vector_store %arg6[%swap3A_56, %swap3A_57], %broadcast_in_dim3A_55 {strides = array<i32>} : memref<512x1xf32, #tpu.memory_space<vmem>>, vector<512x1xf32>,
      %broadcast_in_dim3A_59 = arith.constant 0.000000e+00 : f32
      %broadcast_in_dim3A_60 = vector.broadcast %broadcast_in_dim3A_59 : f32 to vector<512x1xf32>
      %swap3A_61 = arith.constant 0 : index
      %swap3A_62 = arith.constant 0 : index
      %swap3A_63 = vector.load %arg7[%swap3A_61, %swap3A_62] : memref<512x1xf32, #tpu.memory_space<vmem>>, vector<512x1xf32>
      tpu.vector_store %arg7[%swap3A_61, %swap3A_62], %broadcast_in_dim3A_60 {strides = array<i32>} : memref<512x1xf32, #tpu.memory_space<vmem>>, vector<512x1xf32>,
    } else {
    }
    %get3A_22 = arith.constant 0 : index
    %get3A_23 = arith.constant 0 : index
    %get3A_24 = vector.load %arg5[%get3A_22, %get3A_23] : memref<512x1xf32, #tpu.memory_space<vmem>>, vector<512x1xf32>
    %reduce_sum3A = arith.constant dense<0.000000e+00> : vector<512xf32>
    %reduce_sum3A_25 = vector.multi_reduction <add>, %mul3A_18, %reduce_sum3A [1] : vector<512x512xf32> to vector<512xf32>
    %broadcast_in_dim3A_26 = vector.shape_cast %reduce_sum3A_25 : vector<512xf32> to vector<512x1xf32>
    %add3A = arith.addf %get3A_24, %broadcast_in_dim3A_26 : vector<512x1xf32>
    %swap3A = arith.constant 0 : index
    %swap3A_27 = arith.constant 0 : index
    %swap3A_28 = vector.load %arg5[%swap3A, %swap3A_27] : memref<512x1xf32, #tpu.memory_space<vmem>>, vector<512x1xf32>
    tpu.vector_store %arg5[%swap3A, %swap3A_27], %add3A {strides = array<i32>} : memref<512x1xf32, #tpu.memory_space<vmem>>, vector<512x1xf32>,
    %get3A_29 = arith.constant 0 : index
    %get3A_30 = arith.constant 0 : index
    %get3A_31 = vector.load %arg6[%get3A_29, %get3A_30] : memref<512x1xf32, #tpu.memory_space<vmem>>, vector<512x1xf32>
    %reduce_sum3A_32 = arith.constant dense<0.000000e+00> : vector<512xf32>
    %reduce_sum3A_33 = vector.multi_reduction <add>, %mul3A_10, %reduce_sum3A_32 [1] : vector<512x512xf32> to vector<512xf32>
    %broadcast_in_dim3A_34 = vector.shape_cast %reduce_sum3A_33 : vector<512xf32> to vector<512x1xf32>
    %add3A_35 = arith.addf %get3A_31, %broadcast_in_dim3A_34 : vector<512x1xf32>
    %swap3A_36 = arith.constant 0 : index
    %swap3A_37 = arith.constant 0 : index
    %swap3A_38 = vector.load %arg6[%swap3A_36, %swap3A_37] : memref<512x1xf32, #tpu.memory_space<vmem>>, vector<512x1xf32>
    tpu.vector_store %arg6[%swap3A_36, %swap3A_37], %add3A_35 {strides = array<i32>} : memref<512x1xf32, #tpu.memory_space<vmem>>, vector<512x1xf32>,
    %get3A_39 = arith.constant 0 : index
    %get3A_40 = arith.constant 0 : index
    %get3A_41 = vector.load %arg7[%get3A_39, %get3A_40] : memref<512x1xf32, #tpu.memory_space<vmem>>, vector<512x1xf32>
    %sqrt3A = math.sqrt %convert_element_type3A_5 : vector<512x512xf32>
    %reduce_sum3A_42 = arith.constant dense<0.000000e+00> : vector<512xf32>
    %reduce_sum3A_43 = vector.multi_reduction <add>, %sqrt3A, %reduce_sum3A_42 [1] : vector<512x512xf32> to vector<512xf32>
    %broadcast_in_dim3A_44 = vector.shape_cast %reduce_sum3A_43 : vector<512xf32> to vector<512x1xf32>
    %add3A_45 = arith.addf %get3A_41, %broadcast_in_dim3A_44 : vector<512x1xf32>
    %swap3A_46 = arith.constant 0 : index
    %swap3A_47 = arith.constant 0 : index
    %swap3A_48 = vector.load %arg7[%swap3A_46, %swap3A_47] : memref<512x1xf32, #tpu.memory_space<vmem>>, vector<512x1xf32>
    tpu.vector_store %arg7[%swap3A_46, %swap3A_47], %add3A_45 {strides = array<i32>} : memref<512x1xf32, #tpu.memory_space<vmem>>, vector<512x1xf32>,
    return
  }
  func.func @transform_0(%arg0: i32, %arg1: i32) -> (i32, i32) {
    %c0_i32 = arith.constant 0 : i32
    return %arg0, %arg1 : i32, i32
  }
  func.func @transform_1(%arg0: i32, %arg1: i32) -> (i32, i32) {
    %c0_i32 = arith.constant 0 : i32
    return %arg0, %arg1 : i32, i32
  }
  func.func @transform_2(%arg0: i32, %arg1: i32) -> (i32, i32) {
    %c0_i32 = arith.constant 0 : i32
    %c0_i32_0 = arith.constant 0 : i32
    return %c0_i32, %arg1 : i32, i32
  }
  func.func @transform_3(%arg0: i32, %arg1: i32) -> (i32, i32) {
    %c0_i32 = arith.constant 0 : i32
    %c0_i32_0 = arith.constant 0 : i32
    return %arg0, %c0_i32 : i32, i32
  }
  func.func @transform_4(%arg0: i32, %arg1: i32) -> (i32, i32) {
    %c0_i32 = arith.constant 0 : i32
    %c0_i32_0 = arith.constant 0 : i32
    return %arg0, %c0_i32 : i32, i32
  }
  func.func @transform_5(%arg0: i32, %arg1: i32) -> (i32, i32) {
    %c0_i32 = arith.constant 0 : i32
    %c0_i32_0 = arith.constant 0 : i32
    return %arg0, %c0_i32 : i32, i32
  }
}

module attributes {stable_mosaic.version = 14 : i64} {
  func.func @_ulmax_kernel(%arg0: i32, %arg1: i32, %arg2: memref<512x512xf32, #tpu.memory_space<vmem>>, %arg3: memref<512x512xf32, #tpu.memory_space<vmem>>, %arg4: memref<512x1xf32, #tpu.memory_space<vmem>>) attributes {dimension_semantics = [#tpu.dimension_semantics<arbitrary>, #tpu.dimension_semantics<arbitrary>], iteration_bounds = array<i64: 8, 10>, scalar_prefetch = 0 : i64, scratch_operands = 0 : i64, tpu.core_type = #tpu.core_type<tc>, window_params = [{transform_indices = @transform_0, window_bounds = array<i64: 512, 512>}, {transform_indices = @transform_1, window_bounds = array<i64: 512, 512>}, {transform_indices = @transform_2, window_bounds = array<i64: 512, 1>}]} {
    %get3A = arith.constant 0 : index
    %get3A_0 = arith.constant 0 : index
    %get3A_1 = vector.load %arg2[%get3A, %get3A_0] : memref<512x512xf32, #tpu.memory_space<vmem>>, vector<512x512xf32>
    %get3A_2 = arith.constant 0 : index
    %get3A_3 = arith.constant 0 : index
    %get3A_4 = vector.load %arg3[%get3A_2, %get3A_3] : memref<512x512xf32, #tpu.memory_space<vmem>>, vector<512x512xf32>
    %dot_general3A = arith.constant dense<0.000000e+00> : vector<512x512xf32>
    %dot_general3A_5 = tpu.matmul %get3A_1, %get3A_4, %dot_general3A {dimension_numbers = #tpu.dot_dimension_numbers<[1], [1], [0], [0], [0, 0, 1, 0], [], []>, transpose_lhs_hint = false} : vector<512x512xf32>, vector<512x512xf32>, vector<512x512xf32> -> vector<512x512xf32>
    %mul3A = arith.constant 512 : i32
    %mul3A_6 = arith.muli %arg1, %mul3A : i32
    %iota3A = tpu.iota {dimensions = array<i32: 1>} : vector<512x512xi32>
    %add3A = vector.broadcast %mul3A_6 : i32 to vector<512x512xi32>
    %add3A_7 = arith.addi %add3A, %iota3A : vector<512x512xi32>
    %lt3A = arith.constant 5000 : i32
    %lt3A_8 = vector.broadcast %lt3A : i32 to vector<512x512xi32>
    %lt3A_9 = arith.cmpi slt, %add3A_7, %lt3A_8 : vector<512x512xi32>
    %jit3A = arith.constant -3.000000e+38 : f32
    %broadcast_in_dim3A = vector.broadcast %jit3A : f32 to vector<512x512xf32>
    %select_n3A = arith.select %lt3A_9, %dot_general3A_5, %broadcast_in_dim3A : vector<512x512xi1>, vector<512x512xf32>
    %reduce_max3A = arith.constant dense<0xFF800000> : vector<512xf32>
    %reduce_max3A_10 = vector.multi_reduction <maximumf>, %select_n3A, %reduce_max3A [1] : vector<512x512xf32> to vector<512xf32>
    %broadcast_in_dim3A_11 = vector.shape_cast %reduce_max3A_10 : vector<512xf32> to vector<512x1xf32>
    %eq3A = arith.constant 0 : i32
    %eq3A_12 = arith.cmpi eq, %arg1, %eq3A : i32
    %convert_element_type3A = arith.extui %eq3A_12 : i1 to i32
    %cond3A = arith.constant 0 : i32
    %cond3A_13 = arith.cmpi ne, %convert_element_type3A, %cond3A : i32
    scf.if %cond3A_13 {
      %broadcast_in_dim3A_19 = arith.constant -3.000000e+38 : f32
      %broadcast_in_dim3A_20 = vector.broadcast %broadcast_in_dim3A_19 : f32 to vector<512x1xf32>
      %swap3A_21 = arith.constant 0 : index
      %swap3A_22 = arith.constant 0 : index
      %swap3A_23 = vector.load %arg4[%swap3A_21, %swap3A_22] : memref<512x1xf32, #tpu.memory_space<vmem>>, vector<512x1xf32>
      tpu.vector_store %arg4[%swap3A_21, %swap3A_22], %broadcast_in_dim3A_20 {strides = array<i32>} : memref<512x1xf32, #tpu.memory_space<vmem>>, vector<512x1xf32>,
    } else {
    }
    %get3A_14 = arith.constant 0 : index
    %get3A_15 = arith.constant 0 : index
    %get3A_16 = vector.load %arg4[%get3A_14, %get3A_15] : memref<512x1xf32, #tpu.memory_space<vmem>>, vector<512x1xf32>
    %max3A = arith.maximumf %get3A_16, %broadcast_in_dim3A_11 : vector<512x1xf32>
    %swap3A = arith.constant 0 : index
    %swap3A_17 = arith.constant 0 : index
    %swap3A_18 = vector.load %arg4[%swap3A, %swap3A_17] : memref<512x1xf32, #tpu.memory_space<vmem>>, vector<512x1xf32>
    tpu.vector_store %arg4[%swap3A, %swap3A_17], %max3A {strides = array<i32>} : memref<512x1xf32, #tpu.memory_space<vmem>>, vector<512x1xf32>,
    return
  }
  func.func @transform_0(%arg0: i32, %arg1: i32) -> (i32, i32) {
    %c0_i32 = arith.constant 0 : i32
    %c0_i32_0 = arith.constant 0 : i32
    return %arg0, %c0_i32 : i32, i32
  }
  func.func @transform_1(%arg0: i32, %arg1: i32) -> (i32, i32) {
    %c0_i32 = arith.constant 0 : i32
    %c0_i32_0 = arith.constant 0 : i32
    return %arg1, %c0_i32 : i32, i32
  }
  func.func @transform_2(%arg0: i32, %arg1: i32) -> (i32, i32) {
    %c0_i32 = arith.constant 0 : i32
    %c0_i32_0 = arith.constant 0 : i32
    return %arg0, %c0_i32 : i32, i32
  }
}

</mosaic_0001>

<sc_bundles>
// kernel: kernel.19.cloned.1.call-start
scs
__scs_entry_jumppad:
0x0: {  	(pc) =	sbr.rel $0x88, $3  }
0x1: {  	(tag) =	ssettag $0x0;
	lr =	simm.s32 $0x1  }
0x2: {  	[smem:$0x3F9D] =	sst lr;
	_ =	strace $0xD0000000  }
0x3: {  	_ = 	snop  }
0x4: {  	_ = 	snop  }
0x5: {  	_ = 	snop  }
0x6: {  	_ = 	snop  }
0x7: {  	_ = 	snop  }
__scs_overlays_trampoline_lowered:
0x8: {  	[smem:$0x3FAC] =	sst s0  }
0x9: {  	[smem:$0x3FAD] =	sst s1  }
0xa: {  	[smem:$0x3FAE] =	sst s2  }
0xb: {  	[smem:$0x3FAF] =	sst s3  }
0xc: {  	[smem:$0x3FB0] =	sst s4  }
0xd: {  	[smem:$0x3FB1] =	sst s5  }
0xe: {  	[smem:$0x3FB2] =	sst s6  }
0xf: {  	[smem:$0x3FB3] =	sst s7  }
0x10: {  	[smem:$0x3FB4] =	sst s8  }
0x11: {  	[smem:$0x3FB5] =	sst s9;
	s0 =	simm.s32 @!p0 $0x0  }
0x12: {  	s1 =	sld [smem:$0x3F9B];
	s0 =	simm.s32 @p0 $0x1  }
0x13: {  	[smem:$0x3FB6] =	sst s0;
	s0 =	simm.s32 @!p1 $0x0  }
0x14: {  	s2 =	sld [smem:$0x3F9A];
	s0 =	simm.s32 @p1 $0x1  }
0x15: {  	[smem:$0x3FB7] =	sst s0;
	s0 =	simm.s32 @!p2 $0x0  }
0x16: {  	s3 =	sld [smem:$0x3FDB];
	s0 =	simm.s32 @p2 $0x1  }
0x17: {  	s4 =	simm.s32 $0x1BF5;
	[smem:$0x3FB9] =	sst s0  }
0x18: {  	s0 =	sld [smem:$0x3F9C];
	_ =	swait.ge [sflag:s4], $0x0  }
0x19: {  	s7 =	sld [smem:$0x3F9D]  }
0x1a: {  	s8 =	sadd.s32 $0xFFFFE003, lr  }
0x1b: {  	s9 =	sadd.s32 $0xFFFFFEF7, lr;
	s5 =	simm.s32 $0xFFFFFFFF;
	p2 =	slt.u32 s8, $0xFFFFF086  }
0x1c: {  	p1 =	slt.u32 s9, $0xF7A;
	s5 =	simm.s32 @!p2 $0x0  }
0x1d: {  	s5 =	simm.s32 @p1 $0x1;
	p0 =	seq.s32 s7, s2  }
0x1e: {  	s7 =	smul.u32 @!p0 $0xF7A, s2;
	p2 =	seq.s32 @!p0 s5, $0x0  }
0x1f: {  	s9 =	smul.u32 $0xF7A, s1;
	s8 =	simm.s32 @!p0 $0x1BF5;
	p2 =	por !p2, p0  }
0x20: {  	[sflag:s8] =	ssyncset.s32 @!p0 $0xFFFFF086;
	s6 =	sadd.s32 @!p0 s3, s7;
	s7 =	simm.s32 @!p0 $0x108  }
0x21: {  	s3 =	sadd.s32 s3, s9;
	s6 =	sadd.s32 @!p0 $0x88, s6;
	s7 =	simm.s32 @p2 $0x1082  }
0x22: {  	[simem:s7], [sflag:s8] =	dma.local @!p0 [hbm:s6], $0xF7A  }
0x23: {  	s9 =	sor.u32 $0xD0000000, s2;
	s6 =	simm.s32 $0x108;
	_ =	swait.ge @!p0 [sflag:s8], $0x0  }
0x24: {  	s3 =	sadd.s32 $0x88, s3;
	s6 =	simm.s32 @!p1 $0x1082;
	[sflag:s4] =	ssyncset.s32 $0xFFFFF086  }
0x25: {  	[simem:s6], [sflag:s4] =	dma.local [hbm:s3], $0xF7A  }
0x26: {  	[smem:$0x3F9D] =	sst s1;
	(tag) =	ssettag s2;
	_ =	strace s9  }
0x27: {  	s1 =	sld [smem:$0x3FAD]  }
0x28: {  	s2 =	sld [smem:$0x3FAE]  }
0x29: {  	s4 =	sld [smem:$0x3FB0]  }
0x2a: {  	p0 =	seq.s32 s5, $0x0;
	s5 =	sld [smem:$0x3FB1]  }
0x2b: {  	s6 =	sld [smem:$0x3FB2]  }
0x2c: {  	s7 =	sld [smem:$0x3FB3]  }
0x2d: {  	s3 =	simm.s32 $0x108;
	s8 =	sld [smem:$0x3FB4]  }
0x2e: {  	s3 =	simm.s32 @!p0 $0x1082;
	s9 =	sld [smem:$0x3FB5]  }
0x2f: {  	lr =	sadd.s32 s0, s3;
	s0 =	sld [smem:$0x3FAC]  }
0x30: {  	s3 =	sld [smem:$0x3FAF]  }
0x31: {  	[smem:$0x3FB8] =	sst s10  }
0x32: {  	s10 =	sld [smem:$0x3FB6];
	_ =	sdelay $0x3  }
0x33: {  	p0 =	seq.s32 s10, $0x1;
	s10 =	sld [smem:$0x3FB8];
	_ =	sdelay $0x3  }
0x34: {  	[smem:$0x3FB8] =	sst s10  }
0x35: {  	s10 =	sld [smem:$0x3FB7];
	_ =	sdelay $0x3  }
0x36: {  	p1 =	seq.s32 s10, $0x1;
	s10 =	sld [smem:$0x3FB8];
	_ =	sdelay $0x3  }
0x37: {  	[smem:$0x3FB8] =	sst s10  }
0x38: {  	s10 =	sld [smem:$0x3FB9]  }
0x39: {  	_ = 	snop;
	(pc) =	sbr.ind lr, $3  }
0x3a: {  	_ = 	snop  }
0x3b: {  	_ = 	snop  }
0x3c: {  	p2 =	seq.s32 s10, $0x1;
	s10 =	sld [smem:$0x3FB8]  }
0x3d: {  	_ =	shalt  }
0x3e: {  	_ =	shalt  }
0x3f: {  	_ =	shalt  }
0x40: {  	_ =	shalt  }
0x41: {  	_ =	shalt  }
0x42: {  	_ =	shalt  }
0x43: {  	_ =	shalt  }
0x44: {  	_ =	shalt  }
0x45: {  	_ =	shalt  }
0x46: {  	_ =	shalt  }
0x47: {  	_ =	shalt  }
0x48: {  	_ =	shalt  }
0x49: {  	_ =	shalt  }
0x4a: {  	_ =	shalt  }
0x4b: {  	_ =	shalt  }
0x4c: {  	_ =	shalt  }
0x4d: {  	_ =	shalt  }
0x4e: {  	_ =	shalt  }
0x4f: {  	_ =	shalt  }
0x50: {  	_ =	shalt  }
0x51: {  	_ =	shalt  }
0x52: {  	_ =	shalt  }
0x53: {  	_ =	shalt  }
0x54: {  	_ =	shalt  }
0x55: {  	_ =	shalt  }
0x56: {  	_ =	shalt  }
0x57: {  	_ =	shalt  }
0x58: {  	_ =	shalt  }
0x59: {  	_ =	shalt  }
0x5a: {  	_ =	shalt  }
0x5b: {  	_ =	shalt  }
0x5c: {  	_ =	shalt  }
0x5d: {  	_ =	shalt  }
0x5e: {  	_ =	shalt  }
0x5f: {  	_ =	shalt  }
0x60: {  	_ =	shalt  }
0x61: {  	_ =	shalt  }
0x62: {  	_ =	shalt  }
0x63: {  	_ =	shalt  }
0x64: {  	_ =	shalt  }
0x65: {  	_ =	shalt  }
0x66: {  	_ =	shalt  }
0x67: {  	_ =	shalt  }
0x68: {  	_ =	shalt  }
0x69: {  	_ =	shalt  }
0x6a: {  	_ =	shalt  }
0x6b: {  	_ =	shalt  }
0x6c: {  	_ =	shalt  }
0x6d: {  	_ =	shalt  }
0x6e: {  	_ =	shalt  }
0x6f: {  	_ =	shalt  }
0x70: {  	_ =	shalt  }
0x71: {  	_ =	shalt  }
0x72: {  	_ =	shalt  }
0x73: {  	_ =	shalt  }
0x74: {  	_ =	shalt  }
0x75: {  	_ =	shalt  }
0x76: {  	_ =	shalt  }
0x77: {  	_ =	shalt  }
0x78: {  	_ =	shalt  }
0x79: {  	_ =	shalt  }
0x7a: {  	_ =	shalt  }
0x7b: {  	_ =	shalt  }
0x7c: {  	_ =	shalt  }
0x7d: {  	_ =	shalt  }
0x7e: {  	_ =	shalt  }
0x7f: {  	_ =	shalt  }
0x80: {  	_ =	shalt  }
0x81: {  	_ =	shalt  }
0x82: {  	_ =	shalt  }
0x83: {  	_ =	shalt  }
0x84: {  	_ =	shalt  }
0x85: {  	_ =	shalt  }
0x86: {  	_ =	shalt  }
0x87: {  	_ =	shalt  }
.Lfunc_end0:
.L_simem_size_0:
called_computation_lowered:
.L_overlay_start_0:
0x88: {  	s2 =	sld [smem:$0x3FD9]  }
0x89: {  	s3 =	sld [smem:$0x3FFE];
	_ =	sdelay $0x1  }
0x8a: {  	s1 =	srdreg.scid  }
0x8b: {  	s0 =	sand.u32 $0x1, s1  }
0x8c: {  	s16 =	sshll.u32 s0, $0xA;
	s2 =	sadd.s32 s3, s2  }
0x8d: {  	s2 =	sadd.s32 s2, s16  }
0x8e: {  	[smem:$0x3FC4] =	sst s2  }
0x8f: {  	_ = 	snop  }
0x90: {  	(tm) =	ssettm $0x1  }
0x91: {  	s17 =	sld [smem:$0x3FFB];
	_ =	sdelay $0x3  }
0x92: {  	_ =	strace s17  }
0x93: {  	s2 =	sld [smem:$0x3FFC];
	_ =	sdelay $0x3  }
0x94: {  	_ =	strace s2  }
0x95: {  	s2 =	sld [smem:$0x3FFD];
	_ =	sdelay $0x3  }
0x96: {  	_ =	strace s2  }
0x97: {  	_ =	strace $0x8FFFFFFF  }
0x98: {  	s18 =	sld [smem:$0x3FDB];
	_ =	sdelay $0x1  }
0x99: {  	s19 =	simm.s32 $_scs_section_size  }
0x9a: {  	s4 =	simm.s32 $_size__tile_overlayer_lowered;
	s5 =	simm.s32 $_tile_overlayer_lowered  }
0x9b: {  	s22 =	simm.s32 $0x1BFF;
	s21 =	sshll.u32 s5, $0x1;
	s2 =	sadd.s32 s19, s18  }
0x9c: {  	s6 =	simm.s32 $0x0;
	s20 =	sshll.u32 s4, $0x1;
	s4 =	sadd.s32 s21, s2  }
0x9d: {  	[timem:s6], [sflag:s22] =	dma.local [hbm:s4], s20  }
0x9e: {  	_ =	swait.ge [sflag:s22], s20  }
0x9f: {  	s3 =	ssub.s32 $0x0, s20;
	[sflag:s22] =	ssyncset.done $0x0  }
0xa0: {  	[sflag:s22] =	ssyncadd.s32 s3;
	_ =	sdelay $0x1  }
0xa1: {  	s23 =	simm.s32 $0x1B8B  }
0xa2: {  	_ =	swait.ge [sflag:s23], $0x1  }
0xa3: {  	[sflag:s23] =	ssyncset.done $0x0  }
0xa4: {  	s25 =	simm.s32 $0x1B8E;
	s24 =	sld [smem:$0x3FFE];
	[sflag:s23] =	ssyncadd.s32 $0xFFFFFFFF  }
0xa5: {  	s26 =	simm.s32 $execute0_lowered;
	[smem:$0x3FD2] =	sst s25  }
0xa6: {  	s4 =	sshll.u32 s26, $0x1;
	_ =	strace $0x80000046;
	[dreg:$0x1] =	wrdreg $0xFFFFFFFF  }
0xa7: {  	s28 =	simm.s32 $_size_execute0_lowered;
	s2 =	sadd.s32 s2, s4;
	[dreg:$0x0] =	wrdreg $0x0  }
0xa8: {  	s4 =	sshll.u32 s28, $0x1;
	[dreg:$0x2] =	wrdreg s2  }
0xa9: {  	[dreg:$0x3] =	wrdreg s4  }
0xaa: {  	[dreg:$0x4] =	wrdreg $0xC0  }
0xab: {  	_ =	task [dreg:s6], $0x5FFFF  }
0xac: {  	[dreg:$0x1] =	wrdreg $0xFFFFFFFF  }
0xad: {  	[dreg:$0x0] =	wrdreg $0x60  }
0xae: {  	[dreg:$0x2] =	wrdreg s24  }
0xaf: {  	[dreg:$0x3] =	wrdreg $0x9  }
0xb0: {  	_ =	task.clear_ibuf [dreg:s6], $0x4FFFF;
	_ =	strace $0x90000046  }
0xb1: {  	s29 =	simm.s32 $0x9;
	_ =	strace $0x80000048  }
0xb2: {  	_ =	swait.ge [sflag:s29], $0x1  }
0xb3: {  	[sflag:s29] =	ssyncadd.s32 $0xFFFFFFFF  }
0xb4: {  	_ =	strace $0x90000048  }
0xb5: {  	_ =	sfence  }
0xb6: {  	s30 =	sld [smem:$0x0];
	_ =	sdelay $0x2  }
0xb7: {  	s31 =	sshll.u32 s1, $0xD;
	s1 =	sshrl.u32 s1, $0x2  }
0xb8: {  	s3 =	sand.u32 $0x4000, s31;
	s1 =	sadd.s32 s1, s30  }
0xb9: {  	s0 =	sor.u32 s3, s0;
	s1 =	sshll.u32 s1, $0x11  }
0xba: {  	s0 =	sor.u32 s1, s0  }
0xbb: {  	s0 =	sadd.s32 $0x8F2B, s0  }
0xbc: {  	[sflag:s0] =	ssyncadd.remote.s32 $0x1  }
0xbd: {  	_ =	sfence.sel $0xFFFF  }
0xbe: {  	[dreg:$0x0] =	wrdreg $0xFFFFFFFF;
	(pc) =	sbr.abs _section_cstart, $3  }
0xbf: {  	[dreg:$0x1] =	wrdreg $0xFFFFFFFF  }
0xc0: {  	_ =	task.clear_ibuf [dreg:s6], $0x2FFFF;
	_ =	strace $0x9FFFFFFF  }
0xc1: {  	(tm) =	ssettm $0x7FFFFFFF  }
tec
execute0_lowered:
.L_overlay_start_1:
0x0: {  	(tag) =	ssettag $0x1  }
0x1: {  	s3 =	rddreg [dreg:$0x0]  }
0x2: {  	s0 =	rddreg [dreg:$0x1];
	s2 =	simm.s32 $0x0;
	s4 =	srdreg.scid  }
0x3: {  	s1 =	stileid.u32;
	s10 =	simm.s32 $0x1;
	s11 =	simm.s32 $0x4000  }
0x4: {  	s12 =	simm.s32 $0x4080;
	s13 =	simm.s32 $0x4100;
	s14 =	simm.s32 $0x4180  }
0x5: {  	s15 =	simm.s32 $0x4200;
	s4 =	sand.u32 $0x1, s4;
	s5 =	sshll.u32 s1, $0x1  }
0x6: {  	s16 =	simm.s32 $0x0;
	[smem:$0x7FF] =	sst s2;
	s5 =	sor.u32 s4, s5  }
0x7: {  	_ =	strace $0x80000047;
	s6 =	sshll.u32 s5, $0xB;
	s5 =	sshll.u32 s5, $0x4  }
0x8: {  	s7 =	ssub.s32 $0x2, s4;
	s30 =	sadd.s32 s6, s3;
	s8 =	sadd.s32 s5, s3  }
0x9: {  	s31 =	sshrl.u32 s7, $0x1;
	s3 =	sadd.s32 $0x190000, s30;
	s4 =	sadd.s32 $0x1A0000, s8  }
0xa: {  	s9 =	ssub.s32 s7, s31;
	s5 =	sadd.s32 $0x1A0200, s8;
	s6 =	sadd.s32 $0x1A0400, s8  }
0xb: {  	s7 =	sadd.s32 $0x1A0600, s8;
	s8 =	sadd.s32 $0x1A0800, s8;
	s9 =	smax.u32 s9, $0x1  }
.LBB2_1:
0xc: {  	[tilespmem:s2], [sflag:$0x1] =	stream.linear.gather [hbm4b:s3+s2], $0x4000, $0x38;
	[tilespmem:$0x4280] =	vst v63  }
0xd: {  	_ =	swait.ge [sflag:s10], $0x4000  }
0xe: {  	[sflag:s10] =	ssyncset.done $0x0  }
0xf: {  	s17 =	simm.s32 $0x0;
	[sflag:s10] =	ssyncadd.s32 $0xFFFFC000  }
.LBB2_2:
0x10: {  	s18 =	sshll.u32 s17, $0xB;
	s20 =	simm.s32 $0x0  }
0x11: {  	s19 =	sand.u32 $0x3FFFF800, s18;
	s29 =	sand.u32 $0x780, s20  }
0x12: {  	s21 =	sand.u32 $0x70, s20;
	s18 =	sadd.s32 s29, s19  }
0x13: {  	s18 =	sadd.s32 s21, s18  }
0x14: {  	s30 =	simm.s32 $0x10;
	v1 =	vld [tilespmem:s18+$0x0]  }
0x15: {  	s31 =	sand.u32 $0x780, s30  }
0x16: {  	s21 =	sadd.s32 s31, s19;
	s18 =	sand.u32 $0x70, s30  }
0x17: {  	s18 =	sadd.s32 s18, s21  }
0x18: {  	v0 =	vimm.f32 $-1.000000000e+00;
	v10 =	vld [tilespmem:s18+$0x0]  }
0x19: {  	vm1 =	vgt.f32 v1, v0  }
0x1a: {  	v3 =	vimm.s32 $0x0;
	v4 =	vsel vm1, v0, v1  }
0x1b: {  	v2 =	vsel vm1, s20, v3;
	vm0 =	vgt.f32 v4, v0  }
0x1c: {  	v9 =	vnsel vm1, s20, v3;
	v6 =	vsel vm1, v1, v0;
	v5 =	vsel vm0, v0, v4  }
0x1d: {  	vm1 =	vgt.f32 v10, v6;
	v8 =	vsel vm0, v3, v9;
	vm2 =	vgt.f32 v5, v0  }
0x1e: {  	v4 =	vsel vm0, v4, v0;
	v11 =	vsel vm2, v0, v5;
	v12 =	vsel vm2, v3, v8  }
0x1f: {  	s23 =	simm.s32 $0x20;
	v7 =	vsel vm2, v5, v0;
	v5 =	vsel vm2, v8, v3;
	vm3 =	vgt.f32 v11, v0  }
0x20: {  	s22 =	simm.s32 $0x3;
	s24 =	sand.u32 $0x780, s23;
	s21 =	sand.u32 $0x70, s23;
	v1 =	vsel vm3, v12, v3;
	v13 =	vsel vm3, v0, v11;
	v14 =	vsel vm3, v3, v12  }
0x21: {  	s23 =	simm.s32 $0x30;
	s18 =	simm.s32 $0x2;
	s20 =	simm.s32 $0x1;
	v8 =	vsel vm3, v11, v0;
	v12 =	vimm.s32 $0x0;
	vm2 =	vgt.f32 v13, v0;
	v11 =	vmovc v2  }
.LBB2_3:
0x22: {  	s25 =	sand.u32 $0x70, s23  }
0x23: {  	p0 =	sne.s32 s22, $0x7F;
	s24 =	sadd.s32 s24, s19;
	v15 =	vsel vm1, v6, v10;
	v0 =	vsel vm2, v13, v0;
	v3 =	vsel vm2, v14, v3;
	s26 =	smov.u32 s22  }
0x24: {  	s22 =	sadd.s32 $0x1, s22;
	v12 =	vsel vm0, v9, v12;
	s24 =	sadd.s32 s21, s24;
	vm0 =	vgt.f32 v15, v4;
	s21 =	smov.u32 s25  }
0x25: {  	v2 =	vsel vm1, s20, v2;
	v16 =	vld [tilespmem:s24+$0x0];
	v13 =	vsel vm0, v4, v15;
	v4 =	vsel vm0, v15, v4  }
.Ltmp0:
0x26: {  	v6 =	vsel vm1, v10, v6;
	v9 =	vnsel vm1, s20, v11;
	s20 =	smov.u32 s18;
	v11 =	vmovc v2;
	s18 =	smov.u32 s26;
	vm1 =	vgt.f32 v13, v7;
	(pc) =	sbr.rel @p0 .LBB2_3-.Ltmp0, $4  }
0x27: {  	v10 =	vsel vm0, v12, v9;
	v15 =	vsel vm1, v7, v13;
	v7 =	vsel vm1, v13, v7  }
0x28: {  	v17 =	vsel vm1, v5, v10;
	v5 =	vsel vm1, v10, v5;
	vm2 =	vgt.f32 v15, v8  }
0x29: {  	v13 =	vsel vm2, v8, v15;
	v14 =	vsel vm2, v1, v17;
	v1 =	vsel vm2, v17, v1  }
0x2a: {  	s24 =	sand.u32 $0x780, s23;
	s23 =	sadd.s32 $0x10, s23;
	v8 =	vsel vm2, v15, v8;
	vm1 =	vgt.f32 v16, v6;
	vm2 =	vgt.f32 v13, v0;
	v10 =	vmovc v16  }
0x2b: {  	s19 =	sadd.s32 s24, s19  }
0x2c: {  	s19 =	sadd.s32 s21, s19  }
0x2d: {  	v15 =	vsel vm1, v6, v10;
	v0 =	vsel vm2, v13, v0;
	v3 =	vsel vm2, v14, v3;
	v46 =	vld [tilespmem:s19+$0x0]  }
0x2e: {  	v9 =	vsel vm0, v9, v12;
	v2 =	vsel vm1, s20, v2;
	vm10 =	vgt.f32 v15, v4  }
0x2f: {  	v11 =	vnsel vm1, s20, v11;
	v49 =	vsel vm1, v10, v6;
	v48 =	vsel vm10, v4, v15  }
0x30: {  	v47 =	vsel vm10, v15, v4;
	v50 =	vsel vm10, v9, v11;
	vm11 =	vgt.f32 v48, v7  }
0x31: {  	v57 =	vsel vm10, v11, v9;
	v51 =	vsel vm11, v48, v7;
	v4 =	vsel vm11, v7, v48  }
0x32: {  	v53 =	vsel vm11, v5, v50;
	vm12 =	vgt.f32 v4, v8;
	vm1 =	vgt.f32 v46, v49  }
0x33: {  	v52 =	vsel vm11, v50, v5;
	v10 =	vsel vm12, v53, v1;
	v6 =	vsel vm1, v49, v46  }
0x34: {  	v54 =	vsel vm12, v8, v4;
	v55 =	vsel vm12, v1, v53;
	vm4 =	vgt.f32 v6, v47  }
0x35: {  	v4 =	vsel vm12, v4, v8;
	vm3 =	vgt.f32 v54, v0;
	v56 =	vsel vm4, v47, v6  }
0x36: {  	s31 =	sshll.u32 s17, $0x4;
	s17 =	sadd.s32 $0x1, s17;
	v0 =	vsel vm3, v54, v0;
	v1 =	vsel vm3, v55, v3;
	vm13 =	vgt.f32 v56, v51  }
0x37: {  	p0 =	sne.s32 s17, $0x8;
	v58 =	vsel vm1, s18, v2;
	v2 =	vnsel vm1, s18, v2;
	v5 =	vsel vm13, v51, v56  }
.Ltmp1:
0x38: {  	[tilespmem:s31+$0x4000] =	vst v58;
	v59 =	vsel vm4, v57, v2;
	v2 =	vsel vm4, v2, v57;
	vm14 =	vgt.f32 v5, v4;
	(pc) =	sbr.rel @p0 .LBB2_2-.Ltmp1, $4  }
0x39: {  	[tilespmem:s31+$0x4080] =	vst v2;
	v60 =	vsel vm13, v59, v52;
	v61 =	vsel vm13, v52, v59;
	v4 =	vsel vm14, v4, v5  }
0x3a: {  	[tilespmem:s31+$0x4100] =	vst v60;
	v62 =	vsel vm14, v61, v10;
	v63 =	vsel vm14, v10, v61;
	vm15 =	vgt.f32 v4, v0  }
0x3b: {  	[tilespmem:s31+$0x4180] =	vst v62;
	v0 =	vsel vm15, v63, v1  }
0x3c: {  	[tilespmem:s31+$0x4200] =	vst v0  }
0x3d: {  	[hbm4b:s4+s2] =	stream.linear.scatter [tilespmem:s11], [sflag:$0x1], $0x80, $0x38;
	[tilespmem:$0x4280] =	vst v63  }
0x3e: {  	_ =	swait.ge [sflag:s10], $0x80  }
0x3f: {  	[sflag:s10] =	ssyncset.done $0x0  }
0x40: {  	[sflag:s10] =	ssyncadd.s32 $0xFFFFFF80  }
0x41: {  	[hbm4b:s5+s2] =	stream.linear.scatter [tilespmem:s12], [sflag:$0x1], $0x80, $0x38;
	[tilespmem:$0x4280] =	vst v63  }
0x42: {  	_ =	swait.ge [sflag:s10], $0x80  }
0x43: {  	[sflag:s10] =	ssyncset.done $0x0  }
0x44: {  	[sflag:s10] =	ssyncadd.s32 $0xFFFFFF80  }
0x45: {  	[hbm4b:s6+s2] =	stream.linear.scatter [tilespmem:s13], [sflag:$0x1], $0x80, $0x38;
	[tilespmem:$0x4280] =	vst v63  }
0x46: {  	_ =	swait.ge [sflag:s10], $0x80  }
0x47: {  	[sflag:s10] =	ssyncset.done $0x0  }
0x48: {  	[sflag:s10] =	ssyncadd.s32 $0xFFFFFF80  }
0x49: {  	[hbm4b:s7+s2] =	stream.linear.scatter [tilespmem:s14], [sflag:$0x1], $0x80, $0x38;
	[tilespmem:$0x4280] =	vst v63  }
0x4a: {  	s16 =	sadd.s32 $0x1, s16;
	_ =	swait.ge [sflag:s10], $0x80  }
0x4b: {  	p0 =	sne.s32 s16, s9;
	[sflag:s10] =	ssyncset.done $0x0  }
.Ltmp2:
0x4c: {  	[sflag:s10] =	ssyncadd.s32 $0xFFFFFF80;
	(pc) =	sbr.rel @p0 .LBB2_1-.Ltmp2, $4  }
0x4d: {  	[hbm4b:s8+s2] =	stream.linear.scatter [tilespmem:s15], [sflag:$0x1], $0x80, $0x38;
	[tilespmem:$0x4280] =	vst v63  }
0x4e: {  	_ =	swait.ge [sflag:s10], $0x80  }
0x4f: {  	[sflag:s10] =	ssyncset.done $0x0  }
0x50: {  	[sflag:s10] =	ssyncadd.s32 $0xFFFFFF80  }
0x51: {  	_ =	sfence.sel $0x180000  }
0x52: {  	[bflag:$0x0] =	sbarrier.arrive $0xFFFF  }
0x53: {  	p0 =	sne.s32 s1, $0x0;
	_ =	strace $0x90000047  }
0x54: {  	s0 =	sadd.s32 @!p0 $0x100000, s0;
	[bflag:$0x2] =	sbarrier.arrive $0xFFFF  }
0x55: {  	[sflag:s0] =	ssyncadd.tile.s32 @!p0 $0x1;
	_ =	shalt  }
.Lfunc_end2:
_tile_overlayer_lowered:
.L_overlay_start_2:
0x56: {  	(tag) =	ssettag $0x2  }
0x57: {  	s0 =	rddreg [dreg:$0x0];
	s2 =	stileid.u32  }
0x58: {  	s1 =	rddreg [dreg:$0x1];
	p0 =	sne.s32 s2, $0x0  }
0x59: {  	s3 =	rddreg [dreg:$0x2];
	[bflag:$0x3] =	sbarrier.arrive $0xFFFF;
	s2 =	simm.s32 @!p0 $0x1C01  }
0x5a: {  	[timem:s3], [sflag:s2] =	dma.local @!p0 [hbm:s0], s1  }
0x5b: {  	s0 =	simm.s32 @!p0 $0x1  }
0x5c: {  	_ =	swait.ge @!p0 [sflag:s0], s1  }
0x5d: {  	s1 =	ssub.s32 @!p0 $0x0, s1;
	[sflag:s0] =	ssyncset.done @!p0 $0x0  }
0x5e: {  	[sflag:s0] =	ssyncadd.s32 @!p0 s1  }
0x5f: {  	[bflag:$0x3] =	sbarrier.arrive $0xFFFF  }
0x60: {  	_ =	shalt  }

</sc_bundles>
